<compile_context>
chip_gen: v7x
topology: tpu7x:2x2x1
jax: 0.10.2.dev20260603
libtpu: 0.0.44.dev20260713+nightly
codegen_flags: <defaults>
</compile_context>

<pallas_src>
import functools

import jax
import jax.numpy as jnp
import numpy as np
from jax import lax
from jax.experimental import pallas as pl
from jax.experimental.pallas import tpu as pltpu
from jax.experimental.pallas import tpu_sc as plsc

MAXLEN = 200
EMBED_DIM = 64
VOCAB = 1000000
NUM_SEQS = 4096
NUM_WORKERS = 32
BBLK = NUM_SEQS // NUM_WORKERS
LANES = 16
NREG = EMBED_DIM // LANES
TPITCH = 129


def _pos_encoding_np(maxlen, embed_dim):
    position = np.arange(maxlen)[:, np.newaxis]
    div_term = np.exp(np.arange(0, embed_dim, 2) * -(np.log(10000.0) / embed_dim))
    pos_enc = np.zeros((maxlen, embed_dim), dtype=np.float32)
    pos_enc[:, 0::2] = np.sin(position * div_term)
    pos_enc[:, 1::2] = np.cos(position * div_term)
    return pos_enc


_MESH = plsc.VectorSubcoreMesh(core_axis_name="c", subcore_axis_name="s")

JB = 8192
WBLK = 2 * JB
NBLK = (VOCAB + WBLK - 1) // WBLK
NPAIR = NBLK * JB
SUB = 2048


def _tr_body(in_ref, eye_ref, out_ref):
    e = eye_ref[...]
    dn = (((0,), (0,)), ((), ()))
    for p in range(WBLK // SUB):
        a = in_ref[:, p * SUB : (p + 1) * SUB]
        at = lax.dot_general(a, e, dn, preferred_element_type=jnp.float32)
        r = (p * SUB) % JB
        c = (p * SUB) // JB * EMBED_DIM
        out_ref[r : r + SUB, c : c + EMBED_DIM] = at


def _tc_linearize(tt, eye):
    return pl.pallas_call(
        _tr_body,
        out_shape=jax.ShapeDtypeStruct((NPAIR, 2 * EMBED_DIM), jnp.float32),
        grid=(NBLK,),
        in_specs=[
            pl.BlockSpec((EMBED_DIM, WBLK), lambda i: (0, i)),
            pl.BlockSpec((EMBED_DIM, EMBED_DIM), lambda i: (0, 0)),
        ],
        out_specs=pl.BlockSpec((JB, 2 * EMBED_DIM), lambda i: (i, 0)),
    )(tt, eye)


_OUT_SHAPE = (MAXLEN, EMBED_DIM // 8, NUM_SEQS // 128, 8, 128)


@functools.partial(
    pl.kernel,
    out_type=jax.ShapeDtypeStruct(_OUT_SHAPE, jnp.float32),
    mesh=_MESH,
    scratch_types=[
        pltpu.VMEM((MAXLEN, BBLK), jnp.int32),
        pltpu.VMEM((2, BBLK), jnp.int32),
        pltpu.VMEM((2, BBLK, EMBED_DIM), jnp.float32),
        pltpu.VMEM((2, 8, 8, TPITCH), jnp.float32),
        pltpu.VMEM((MAXLEN, EMBED_DIM), jnp.float32),
        pltpu.SemaphoreType.DMA,
        pltpu.SemaphoreType.DMA,
    ],
    compiler_params=pltpu.CompilerParams(
        use_tc_tiling_on_sc=False,
        needs_layout_passes=False,
        disable_bounds_checks=True,
    ),
)
def _emb_pos_kernel(xt_hbm, tab_hbm, pos_hbm, out_hbm, idx_v, jdx_v, rows_v, t_v,
                    pos_v, gsem, wsem):
    wid = lax.axis_index("s") * 2 + lax.axis_index("c")
    b0 = wid * BBLK

    pltpu.sync_copy(pos_hbm, pos_v)
    pltpu.sync_copy(xt_hbm.at[:, pl.ds(b0, BBLK)], idx_v)

    lane = lax.iota(jnp.int32, LANES)
    td = [(lane + 16 * j) // 8 for j in range(NREG)]
    ds_ = [lane % 8 for _ in range(NREG)]

    def fill_jdx(l, buf):
        for j in range(BBLK // LANES):
            sl = pl.ds(j * LANES, LANES)
            k = idx_v[l, sl]
            jdx_v[buf, sl] = (
                lax.shift_right_logical(k, 14) * (2 * JB)
                + (k & (JB - 1)) * 2
                + (lax.shift_right_logical(k, 13) & 1)
            )

    fill_jdx(0, 0)
    pltpu.async_copy(tab_hbm.at[jdx_v.at[0]], rows_v.at[0], gsem)

    def l_body(l, carry):
        cur = lax.rem(l, 2)
        nxt = lax.rem(l + 1, 2)

        @pl.when(l + 1 < MAXLEN)
        def _():
            fill_jdx(l + 1, nxt)
            pltpu.async_copy(tab_hbm.at[jdx_v.at[nxt]], rows_v.at[nxt], gsem)

        pltpu.make_async_copy(tab_hbm.at[jdx_v.at[cur]], rows_v.at[cur], gsem).wait()

        @pl.when(l >= 2)
        def _():
            pltpu.make_async_copy(
                t_v.at[cur, :, :, pl.ds(0, 128)], out_hbm.at[l, :, wid], wsem
            ).wait()

        pv = tuple(pos_v[l, pl.ds(16 * j, LANES)] for j in range(NREG))

        @plsc.parallel_loop(0, BBLK, unroll=4)
        def _(b):
            col = jnp.full((LANES,), b, dtype=jnp.int32)
            vs = [rows_v[cur, b, pl.ds(16 * j, LANES)] for j in range(NREG)]
            vs = [vs[j] + pv[j] for j in range(NREG)]
            for j in range(NREG):
                plsc.store_scatter(t_v.at[cur], [td[j], ds_[j], col], vs[j])
        pltpu.async_copy(
            t_v.at[cur, :, :, pl.ds(0, 128)], out_hbm.at[l, :, wid], wsem
        )
        return carry

    lax.fori_loop(0, MAXLEN, l_body, 0)
    for _ in range(2):
        pltpu.make_async_copy(
            t_v.at[0, :, :, pl.ds(0, 128)], out_hbm.at[0, :, wid], wsem
        ).wait()


def kernel(x, table):
    xt = x.T
    eye = jnp.eye(EMBED_DIM, dtype=jnp.float32)
    tab2 = _tc_linearize(table.T, eye)
    tab_rows = tab2.reshape(2 * NPAIR, EMBED_DIM)
    pos = jnp.asarray(_pos_encoding_np(MAXLEN, EMBED_DIM))
    k5 = _emb_pos_kernel(xt, tab_rows, pos)
    return k5.transpose(2, 4, 0, 1, 3).reshape(NUM_SEQS, MAXLEN, EMBED_DIM)

# --- scband reference (transcript-rebuilt; emitter-appended) ---
"""Pipeline reference for scband-positional-encoding-71270687310301 (READ-ONLY COPY).

The authoritative reference and input builder live on the scoring server;
editing this copy changes nothing except your own understanding.
"""

import jax, jax.numpy as jnp
import numpy as np

MAXLEN = 200
VOCAB = 1000000
EMBED_DIM = 64

def _positional_encoding(maxlen, embed_dim):
    position = np.arange(maxlen)[:, np.newaxis]
    div_term = np.exp(np.arange(0, embed_dim, 2) * -(np.log(10000.0) / embed_dim))
    pos_enc = np.zeros((maxlen, embed_dim), dtype=np.float32)
    pos_enc[:, 0::2] = np.sin(position * div_term)
    pos_enc[:, 1::2] = np.cos(position * div_term)
    return jnp.asarray(pos_enc, dtype=jnp.float32)

def setup_inputs(seed: int = 0) -> dict:
    key = jax.random.key(seed)
    k_idx, k_tab = jax.random.split(key)
    x = jax.random.randint(k_idx, (4096, 200), 0, VOCAB, dtype=jnp.int64 if jax.config.jax_enable_x64 else jnp.int32).astype(jnp.int32)
    # Keras Embedding default init: uniform(-0.05, 0.05)
    table = jax.random.uniform(k_tab, (VOCAB, EMBED_DIM), dtype=jnp.float32, minval=-0.05, maxval=0.05)
    return {"x": x, "table": table}

def reference(x, table):
    emb = jnp.take(table, x, axis=0)  # [B, L, D] gather (embedding lookup)
    pos_enc = _positional_encoding(MAXLEN, EMBED_DIM)
    seq_len = emb.shape[1]
    out = emb + pos_enc[:seq_len, :]
    return out

if __name__ == "__main__":
    import jax
    _d = setup_inputs()
    print(jax.jit(kernel)(*tuple(_d.values())))

</pallas_src>

<mosaic_0001>
#map = affine_map<(d0, d1) -> (0, 0)>
#map1 = affine_map<(d0, d1) -> (0, 0, 0, 0, 0)>
module attributes {stable_mosaic.version = 14 : i64} {
  func.func @_emb_pos_kernel(%arg0: i32, %arg1: i32, %arg2: memref<200x4096xi32, #tpu.memory_space<hbm>>, %arg3: memref<1015808x64xf32, #tpu.memory_space<hbm>>, %arg4: memref<200x64xf32, #tpu.memory_space<hbm>>, %arg5: memref<200x8x32x8x128xf32, #tpu.memory_space<hbm>>, %arg6: memref<200x128xi32, #tpu.memory_space<vmem>>, %arg7: memref<2x128xi32, #tpu.memory_space<vmem>>, %arg8: memref<2x128x64xf32, #tpu.memory_space<vmem>>, %arg9: memref<2x8x8x129xf32, #tpu.memory_space<vmem>>, %arg10: memref<200x64xf32, #tpu.memory_space<vmem>>, %arg11: memref<!tpu.dma_semaphore, #tpu.memory_space<semaphore_mem>>, %arg12: memref<!tpu.dma_semaphore, #tpu.memory_space<semaphore_mem>>) attributes {dimension_semantics = [#tpu.dimension_semantics<core_parallel>, #tpu.dimension_semantics<subcore_parallel>], iteration_bounds = array<i64: 2, 16>, scalar_prefetch = 0 : i64, scratch_operands = 7 : i64, tpu.core_type = #tpu.core_type<sc_vector_subcore>, window_params = [{transform_indices = #map}, {transform_indices = #map}, {transform_indices = #map}, {transform_indices = #map1}]} {
    %mul3A = arith.constant 2 : i32
    %mul3A_0 = arith.muli %arg1, %mul3A : i32
    %add3A = arith.addi %mul3A_0, %arg0 : i32
    %mul3A_1 = arith.constant 128 : i32
    %mul3A_2 = arith.muli %add3A, %mul3A_1 : i32
    "tpu.region"() ({
      %run_scoped3A = tpu.sem_alloc : memref<!tpu.dma_semaphore, #tpu.memory_space<semaphore_mem>>
      tpu.enqueue_dma source(%arg4 : memref<200x64xf32, #tpu.memory_space<hbm>>) target(%arg10 : memref<200x64xf32, #tpu.memory_space<vmem>>) target_semaphore(%run_scoped3A : memref<!tpu.dma_semaphore, #tpu.memory_space<semaphore_mem>>)
      tpu.wait_dma2 semaphore(%run_scoped3A : memref<!tpu.dma_semaphore, #tpu.memory_space<semaphore_mem>>) src(%arg4 : memref<200x64xf32, #tpu.memory_space<hbm>>) dst(%arg10 : memref<200x64xf32, #tpu.memory_space<vmem>>)
      tpu.yield
    }) : () -> ()
    "tpu.region"() ({
      %run_scoped3A = tpu.sem_alloc : memref<!tpu.dma_semaphore, #tpu.memory_space<semaphore_mem>>
      %dma_start3A_497 = arith.constant 0 : i32
      %dma_start3A_498 = tpu.memref_slice %arg2[%dma_start3A_497, %mul3A_2] : memref<200x4096xi32, #tpu.memory_space<hbm>> -> memref<200x128xi32, #tpu.memory_space<hbm>>
      %dma_start3A_499 = arith.constant 0 : i32
      %dma_start3A_500 = tpu.memref_slice %arg2[%dma_start3A_499, %mul3A_2] : memref<200x4096xi32, #tpu.memory_space<hbm>> -> memref<200x128xi32, #tpu.memory_space<hbm>>
      tpu.enqueue_dma source(%dma_start3A_500 : memref<200x128xi32, #tpu.memory_space<hbm>>) target(%arg6 : memref<200x128xi32, #tpu.memory_space<vmem>>) target_semaphore(%run_scoped3A : memref<!tpu.dma_semaphore, #tpu.memory_space<semaphore_mem>>)
      %dma_wait3A_501 = arith.constant 0 : i32
      %dma_wait3A_502 = tpu.memref_slice %arg2[%dma_wait3A_501, %mul3A_2] : memref<200x4096xi32, #tpu.memory_space<hbm>> -> memref<200x128xi32, #tpu.memory_space<hbm>>
      %dma_wait3A_503 = arith.constant 0 : i32
      %dma_wait3A_504 = tpu.memref_slice %arg2[%dma_wait3A_503, %mul3A_2] : memref<200x4096xi32, #tpu.memory_space<hbm>> -> memref<200x128xi32, #tpu.memory_space<hbm>>
      tpu.wait_dma2 semaphore(%run_scoped3A : memref<!tpu.dma_semaphore, #tpu.memory_space<semaphore_mem>>) src(%dma_wait3A_504 : memref<200x128xi32, #tpu.memory_space<hbm>>) dst(%arg6 : memref<200x128xi32, #tpu.memory_space<vmem>>)
      tpu.yield
    }) : () -> ()
    %iota3A = tpu.iota {dimensions = array<i32: 0>} : vector<16xi32>
    %add3A_3 = arith.constant 0 : i32
    %add3A_4 = vector.broadcast %add3A_3 : i32 to vector<16xi32>
    %add3A_5 = arith.addi %iota3A, %add3A_4 : vector<16xi32>
    %jit3A = arith.constant 8 : i32
    %div3A = vector.broadcast %jit3A : i32 to vector<16xi32>
    %div3A_6 = arith.divsi %add3A_5, %div3A : vector<16xi32>
    %sign3A = arith.constant 0 : i32
    %sign3A_7 = vector.broadcast %sign3A : i32 to vector<16xi32>
    %sign3A_8 = arith.cmpi sgt, %add3A_5, %sign3A_7 : vector<16xi32>
    %sign3A_9 = arith.extui %sign3A_8 : vector<16xi1> to vector<16xi32>
    %sign3A_10 = arith.constant 0 : i32
    %sign3A_11 = vector.broadcast %sign3A_10 : i32 to vector<16xi32>
    %sign3A_12 = arith.cmpi slt, %add3A_5, %sign3A_11 : vector<16xi32>
    %sign3A_13 = arith.extui %sign3A_12 : vector<16xi1> to vector<16xi32>
    %sign3A_14 = arith.subi %sign3A_9, %sign3A_13 : vector<16xi32>
    %sign3A_15 = arith.constant 0 : i32
    %sign3A_16 = arith.cmpi sgt, %jit3A, %sign3A_15 : i32
    %sign3A_17 = arith.extui %sign3A_16 : i1 to i32
    %sign3A_18 = arith.constant 0 : i32
    %sign3A_19 = arith.cmpi slt, %jit3A, %sign3A_18 : i32
    %sign3A_20 = arith.extui %sign3A_19 : i1 to i32
    %sign3A_21 = arith.subi %sign3A_17, %sign3A_20 : i32
    %ne3A = vector.broadcast %sign3A_21 : i32 to vector<16xi32>
    %ne3A_22 = arith.cmpi ne, %sign3A_14, %ne3A : vector<16xi32>
    %rem3A = vector.broadcast %jit3A : i32 to vector<16xi32>
    %rem3A_23 = arith.remsi %add3A_5, %rem3A : vector<16xi32>
    %ne3A_24 = arith.constant 0 : i32
    %ne3A_25 = vector.broadcast %ne3A_24 : i32 to vector<16xi32>
    %ne3A_26 = arith.cmpi ne, %rem3A_23, %ne3A_25 : vector<16xi32>
    %and3A = arith.andi %ne3A_22, %ne3A_26 : vector<16xi1>
    %sub3A = arith.constant 1 : i32
    %sub3A_27 = vector.broadcast %sub3A : i32 to vector<16xi32>
    %sub3A_28 = arith.subi %div3A_6, %sub3A_27 : vector<16xi32>
    %select_n3A = arith.select %and3A, %sub3A_28, %div3A_6 : vector<16xi1>, vector<16xi32>
    %add3A_29 = arith.constant 16 : i32
    %add3A_30 = vector.broadcast %add3A_29 : i32 to vector<16xi32>
    %add3A_31 = arith.addi %iota3A, %add3A_30 : vector<16xi32>
    %jit3A_32 = arith.constant 8 : i32
    %div3A_33 = vector.broadcast %jit3A_32 : i32 to vector<16xi32>
    %div3A_34 = arith.divsi %add3A_31, %div3A_33 : vector<16xi32>
    %sign3A_35 = arith.constant 0 : i32
    %sign3A_36 = vector.broadcast %sign3A_35 : i32 to vector<16xi32>
    %sign3A_37 = arith.cmpi sgt, %add3A_31, %sign3A_36 : vector<16xi32>
    %sign3A_38 = arith.extui %sign3A_37 : vector<16xi1> to vector<16xi32>
    %sign3A_39 = arith.constant 0 : i32
    %sign3A_40 = vector.broadcast %sign3A_39 : i32 to vector<16xi32>
    %sign3A_41 = arith.cmpi slt, %add3A_31, %sign3A_40 : vector<16xi32>
    %sign3A_42 = arith.extui %sign3A_41 : vector<16xi1> to vector<16xi32>
    %sign3A_43 = arith.subi %sign3A_38, %sign3A_42 : vector<16xi32>
    %sign3A_44 = arith.constant 0 : i32
    %sign3A_45 = arith.cmpi sgt, %jit3A_32, %sign3A_44 : i32
    %sign3A_46 = arith.extui %sign3A_45 : i1 to i32
    %sign3A_47 = arith.constant 0 : i32
    %sign3A_48 = arith.cmpi slt, %jit3A_32, %sign3A_47 : i32
    %sign3A_49 = arith.extui %sign3A_48 : i1 to i32
    %sign3A_50 = arith.subi %sign3A_46, %sign3A_49 : i32
    %ne3A_51 = vector.broadcast %sign3A_50 : i32 to vector<16xi32>
    %ne3A_52 = arith.cmpi ne, %sign3A_43, %ne3A_51 : vector<16xi32>
    %rem3A_53 = vector.broadcast %jit3A_32 : i32 to vector<16xi32>
    %rem3A_54 = arith.remsi %add3A_31, %rem3A_53 : vector<16xi32>
    %ne3A_55 = arith.constant 0 : i32
    %ne3A_56 = vector.broadcast %ne3A_55 : i32 to vector<16xi32>
    %ne3A_57 = arith.cmpi ne, %rem3A_54, %ne3A_56 : vector<16xi32>
    %and3A_58 = arith.andi %ne3A_52, %ne3A_57 : vector<16xi1>
    %sub3A_59 = arith.constant 1 : i32
    %sub3A_60 = vector.broadcast %sub3A_59 : i32 to vector<16xi32>
    %sub3A_61 = arith.subi %div3A_34, %sub3A_60 : vector<16xi32>
    %select_n3A_62 = arith.select %and3A_58, %sub3A_61, %div3A_34 : vector<16xi1>, vector<16xi32>
    %add3A_63 = arith.constant 32 : i32
    %add3A_64 = vector.broadcast %add3A_63 : i32 to vector<16xi32>
    %add3A_65 = arith.addi %iota3A, %add3A_64 : vector<16xi32>
    %jit3A_66 = arith.constant 8 : i32
    %div3A_67 = vector.broadcast %jit3A_66 : i32 to vector<16xi32>
    %div3A_68 = arith.divsi %add3A_65, %div3A_67 : vector<16xi32>
    %sign3A_69 = arith.constant 0 : i32
    %sign3A_70 = vector.broadcast %sign3A_69 : i32 to vector<16xi32>
    %sign3A_71 = arith.cmpi sgt, %add3A_65, %sign3A_70 : vector<16xi32>
    %sign3A_72 = arith.extui %sign3A_71 : vector<16xi1> to vector<16xi32>
    %sign3A_73 = arith.constant 0 : i32
    %sign3A_74 = vector.broadcast %sign3A_73 : i32 to vector<16xi32>
    %sign3A_75 = arith.cmpi slt, %add3A_65, %sign3A_74 : vector<16xi32>
    %sign3A_76 = arith.extui %sign3A_75 : vector<16xi1> to vector<16xi32>
    %sign3A_77 = arith.subi %sign3A_72, %sign3A_76 : vector<16xi32>
    %sign3A_78 = arith.constant 0 : i32
    %sign3A_79 = arith.cmpi sgt, %jit3A_66, %sign3A_78 : i32
    %sign3A_80 = arith.extui %sign3A_79 : i1 to i32
    %sign3A_81 = arith.constant 0 : i32
    %sign3A_82 = arith.cmpi slt, %jit3A_66, %sign3A_81 : i32
    %sign3A_83 = arith.extui %sign3A_82 : i1 to i32
    %sign3A_84 = arith.subi %sign3A_80, %sign3A_83 : i32
    %ne3A_85 = vector.broadcast %sign3A_84 : i32 to vector<16xi32>
    %ne3A_86 = arith.cmpi ne, %sign3A_77, %ne3A_85 : vector<16xi32>
    %rem3A_87 = vector.broadcast %jit3A_66 : i32 to vector<16xi32>
    %rem3A_88 = arith.remsi %add3A_65, %rem3A_87 : vector<16xi32>
    %ne3A_89 = arith.constant 0 : i32
    %ne3A_90 = vector.broadcast %ne3A_89 : i32 to vector<16xi32>
    %ne3A_91 = arith.cmpi ne, %rem3A_88, %ne3A_90 : vector<16xi32>
    %and3A_92 = arith.andi %ne3A_86, %ne3A_91 : vector<16xi1>
    %sub3A_93 = arith.constant 1 : i32
    %sub3A_94 = vector.broadcast %sub3A_93 : i32 to vector<16xi32>
    %sub3A_95 = arith.subi %div3A_68, %sub3A_94 : vector<16xi32>
    %select_n3A_96 = arith.select %and3A_92, %sub3A_95, %div3A_68 : vector<16xi1>, vector<16xi32>
    %add3A_97 = arith.constant 48 : i32
    %add3A_98 = vector.broadcast %add3A_97 : i32 to vector<16xi32>
    %add3A_99 = arith.addi %iota3A, %add3A_98 : vector<16xi32>
    %jit3A_100 = arith.constant 8 : i32
    %div3A_101 = vector.broadcast %jit3A_100 : i32 to vector<16xi32>
    %div3A_102 = arith.divsi %add3A_99, %div3A_101 : vector<16xi32>
    %sign3A_103 = arith.constant 0 : i32
    %sign3A_104 = vector.broadcast %sign3A_103 : i32 to vector<16xi32>
    %sign3A_105 = arith.cmpi sgt, %add3A_99, %sign3A_104 : vector<16xi32>
    %sign3A_106 = arith.extui %sign3A_105 : vector<16xi1> to vector<16xi32>
    %sign3A_107 = arith.constant 0 : i32
    %sign3A_108 = vector.broadcast %sign3A_107 : i32 to vector<16xi32>
    %sign3A_109 = arith.cmpi slt, %add3A_99, %sign3A_108 : vector<16xi32>
    %sign3A_110 = arith.extui %sign3A_109 : vector<16xi1> to vector<16xi32>
    %sign3A_111 = arith.subi %sign3A_106, %sign3A_110 : vector<16xi32>
    %sign3A_112 = arith.constant 0 : i32
    %sign3A_113 = arith.cmpi sgt, %jit3A_100, %sign3A_112 : i32
    %sign3A_114 = arith.extui %sign3A_113 : i1 to i32
    %sign3A_115 = arith.constant 0 : i32
    %sign3A_116 = arith.cmpi slt, %jit3A_100, %sign3A_115 : i32
    %sign3A_117 = arith.extui %sign3A_116 : i1 to i32
    %sign3A_118 = arith.subi %sign3A_114, %sign3A_117 : i32
    %ne3A_119 = vector.broadcast %sign3A_118 : i32 to vector<16xi32>
    %ne3A_120 = arith.cmpi ne, %sign3A_111, %ne3A_119 : vector<16xi32>
    %rem3A_121 = vector.broadcast %jit3A_100 : i32 to vector<16xi32>
    %rem3A_122 = arith.remsi %add3A_99, %rem3A_121 : vector<16xi32>
    %ne3A_123 = arith.constant 0 : i32
    %ne3A_124 = vector.broadcast %ne3A_123 : i32 to vector<16xi32>
    %ne3A_125 = arith.cmpi ne, %rem3A_122, %ne3A_124 : vector<16xi32>
    %and3A_126 = arith.andi %ne3A_120, %ne3A_125 : vector<16xi1>
    %sub3A_127 = arith.constant 1 : i32
    %sub3A_128 = vector.broadcast %sub3A_127 : i32 to vector<16xi32>
    %sub3A_129 = arith.subi %div3A_102, %sub3A_128 : vector<16xi32>
    %select_n3A_130 = arith.select %and3A_126, %sub3A_129, %div3A_102 : vector<16xi1>, vector<16xi32>
    %jit3A_131 = arith.constant 8 : i32
    %eq3A = arith.constant 0 : i32
    %eq3A_132 = arith.cmpi eq, %jit3A_131, %eq3A : i32
    %jit3A_133 = arith.constant 1 : i32
    %select_n3A_134 = arith.select %eq3A_132, %jit3A_133, %jit3A_131 : i32
    %rem3A_135 = vector.broadcast %select_n3A_134 : i32 to vector<16xi32>
    %rem3A_136 = arith.remsi %iota3A, %rem3A_135 : vector<16xi32>
    %ne3A_137 = arith.constant 0 : i32
    %ne3A_138 = vector.broadcast %ne3A_137 : i32 to vector<16xi32>
    %ne3A_139 = arith.cmpi ne, %rem3A_136, %ne3A_138 : vector<16xi32>
    %lt3A = arith.constant 0 : i32
    %lt3A_140 = vector.broadcast %lt3A : i32 to vector<16xi32>
    %lt3A_141 = arith.cmpi slt, %rem3A_136, %lt3A_140 : vector<16xi32>
    %lt3A_142 = arith.constant 0 : i32
    %lt3A_143 = arith.cmpi slt, %select_n3A_134, %lt3A_142 : i32
    %ne3A_144 = vector.broadcast %lt3A_143 : i1 to vector<16xi1>
    %ne3A_145 = vector.broadcast %ne3A_144 : vector<16xi1> to vector<16xi1>
    %ne3A_146 = arith.xori %lt3A_141, %ne3A_145 : vector<16xi1>
    %and3A_147 = arith.andi %ne3A_146, %ne3A_139 : vector<16xi1>
    %add3A_148 = vector.broadcast %select_n3A_134 : i32 to vector<16xi32>
    %add3A_149 = arith.addi %rem3A_136, %add3A_148 : vector<16xi32>
    %select_n3A_150 = arith.select %and3A_147, %add3A_149, %rem3A_136 : vector<16xi1>, vector<16xi32>
    %jit3A_151 = arith.constant 8 : i32
    %eq3A_152 = arith.constant 0 : i32
    %eq3A_153 = arith.cmpi eq, %jit3A_151, %eq3A_152 : i32
    %jit3A_154 = arith.constant 1 : i32
    %select_n3A_155 = arith.select %eq3A_153, %jit3A_154, %jit3A_151 : i32
    %rem3A_156 = vector.broadcast %select_n3A_155 : i32 to vector<16xi32>
    %rem3A_157 = arith.remsi %iota3A, %rem3A_156 : vector<16xi32>
    %ne3A_158 = arith.constant 0 : i32
    %ne3A_159 = vector.broadcast %ne3A_158 : i32 to vector<16xi32>
    %ne3A_160 = arith.cmpi ne, %rem3A_157, %ne3A_159 : vector<16xi32>
    %lt3A_161 = arith.constant 0 : i32
    %lt3A_162 = vector.broadcast %lt3A_161 : i32 to vector<16xi32>
    %lt3A_163 = arith.cmpi slt, %rem3A_157, %lt3A_162 : vector<16xi32>
    %lt3A_164 = arith.constant 0 : i32
    %lt3A_165 = arith.cmpi slt, %select_n3A_155, %lt3A_164 : i32
    %ne3A_166 = vector.broadcast %lt3A_165 : i1 to vector<16xi1>
    %ne3A_167 = vector.broadcast %ne3A_166 : vector<16xi1> to vector<16xi1>
    %ne3A_168 = arith.xori %lt3A_163, %ne3A_167 : vector<16xi1>
    %and3A_169 = arith.andi %ne3A_168, %ne3A_160 : vector<16xi1>
    %add3A_170 = vector.broadcast %select_n3A_155 : i32 to vector<16xi32>
    %add3A_171 = arith.addi %rem3A_157, %add3A_170 : vector<16xi32>
    %select_n3A_172 = arith.select %and3A_169, %add3A_171, %rem3A_157 : vector<16xi1>, vector<16xi32>
    %jit3A_173 = arith.constant 8 : i32
    %eq3A_174 = arith.constant 0 : i32
    %eq3A_175 = arith.cmpi eq, %jit3A_173, %eq3A_174 : i32
    %jit3A_176 = arith.constant 1 : i32
    %select_n3A_177 = arith.select %eq3A_175, %jit3A_176, %jit3A_173 : i32
    %rem3A_178 = vector.broadcast %select_n3A_177 : i32 to vector<16xi32>
    %rem3A_179 = arith.remsi %iota3A, %rem3A_178 : vector<16xi32>
    %ne3A_180 = arith.constant 0 : i32
    %ne3A_181 = vector.broadcast %ne3A_180 : i32 to vector<16xi32>
    %ne3A_182 = arith.cmpi ne, %rem3A_179, %ne3A_181 : vector<16xi32>
    %lt3A_183 = arith.constant 0 : i32
    %lt3A_184 = vector.broadcast %lt3A_183 : i32 to vector<16xi32>
    %lt3A_185 = arith.cmpi slt, %rem3A_179, %lt3A_184 : vector<16xi32>
    %lt3A_186 = arith.constant 0 : i32
    %lt3A_187 = arith.cmpi slt, %select_n3A_177, %lt3A_186 : i32
    %ne3A_188 = vector.broadcast %lt3A_187 : i1 to vector<16xi1>
    %ne3A_189 = vector.broadcast %ne3A_188 : vector<16xi1> to vector<16xi1>
    %ne3A_190 = arith.xori %lt3A_185, %ne3A_189 : vector<16xi1>
    %and3A_191 = arith.andi %ne3A_190, %ne3A_182 : vector<16xi1>
    %add3A_192 = vector.broadcast %select_n3A_177 : i32 to vector<16xi32>
    %add3A_193 = arith.addi %rem3A_179, %add3A_192 : vector<16xi32>
    %select_n3A_194 = arith.select %and3A_191, %add3A_193, %rem3A_179 : vector<16xi1>, vector<16xi32>
    %jit3A_195 = arith.constant 8 : i32
    %eq3A_196 = arith.constant 0 : i32
    %eq3A_197 = arith.cmpi eq, %jit3A_195, %eq3A_196 : i32
    %jit3A_198 = arith.constant 1 : i32
    %select_n3A_199 = arith.select %eq3A_197, %jit3A_198, %jit3A_195 : i32
    %rem3A_200 = vector.broadcast %select_n3A_199 : i32 to vector<16xi32>
    %rem3A_201 = arith.remsi %iota3A, %rem3A_200 : vector<16xi32>
    %ne3A_202 = arith.constant 0 : i32
    %ne3A_203 = vector.broadcast %ne3A_202 : i32 to vector<16xi32>
    %ne3A_204 = arith.cmpi ne, %rem3A_201, %ne3A_203 : vector<16xi32>
    %lt3A_205 = arith.constant 0 : i32
    %lt3A_206 = vector.broadcast %lt3A_205 : i32 to vector<16xi32>
    %lt3A_207 = arith.cmpi slt, %rem3A_201, %lt3A_206 : vector<16xi32>
    %lt3A_208 = arith.constant 0 : i32
    %lt3A_209 = arith.cmpi slt, %select_n3A_199, %lt3A_208 : i32
    %ne3A_210 = vector.broadcast %lt3A_209 : i1 to vector<16xi1>
    %ne3A_211 = vector.broadcast %ne3A_210 : vector<16xi1> to vector<16xi1>
    %ne3A_212 = arith.xori %lt3A_207, %ne3A_211 : vector<16xi1>
    %and3A_213 = arith.andi %ne3A_212, %ne3A_204 : vector<16xi1>
    %add3A_214 = vector.broadcast %select_n3A_199 : i32 to vector<16xi32>
    %add3A_215 = arith.addi %rem3A_201, %add3A_214 : vector<16xi32>
    %select_n3A_216 = arith.select %and3A_213, %add3A_215, %rem3A_201 : vector<16xi1>, vector<16xi32>
    %get3A = arith.constant 0 : i32
    %get3A_217 = arith.index_cast %get3A : i32 to index
    %get3A_218 = arith.constant 0 : index
    %get3A_219 = tpu.vector_load %arg6[%get3A_217, %get3A_218] {strides = array<i32>} : memref<200x128xi32, #tpu.memory_space<vmem>>, vector<16xi32>,
    %shift_right_logical3A = arith.constant 14 : i32
    %shift_right_logical3A_220 = vector.broadcast %shift_right_logical3A : i32 to vector<16xi32>
    %shift_right_logical3A_221 = arith.shrui %get3A_219, %shift_right_logical3A_220 : vector<16xi32>
    %mul3A_222 = arith.constant 16384 : i32
    %mul3A_223 = vector.broadcast %mul3A_222 : i32 to vector<16xi32>
    %mul3A_224 = arith.muli %shift_right_logical3A_221, %mul3A_223 : vector<16xi32>
    %and3A_225 = arith.constant 8191 : i32
    %and3A_226 = vector.broadcast %and3A_225 : i32 to vector<16xi32>
    %and3A_227 = arith.andi %get3A_219, %and3A_226 : vector<16xi32>
    %mul3A_228 = arith.constant 2 : i32
    %mul3A_229 = vector.broadcast %mul3A_228 : i32 to vector<16xi32>
    %mul3A_230 = arith.muli %and3A_227, %mul3A_229 : vector<16xi32>
    %add3A_231 = arith.addi %mul3A_224, %mul3A_230 : vector<16xi32>
    %shift_right_logical3A_232 = arith.constant 13 : i32
    %shift_right_logical3A_233 = vector.broadcast %shift_right_logical3A_232 : i32 to vector<16xi32>
    %shift_right_logical3A_234 = arith.shrui %get3A_219, %shift_right_logical3A_233 : vector<16xi32>
    %and3A_235 = arith.constant 1 : i32
    %and3A_236 = vector.broadcast %and3A_235 : i32 to vector<16xi32>
    %and3A_237 = arith.andi %shift_right_logical3A_234, %and3A_236 : vector<16xi32>
    %add3A_238 = arith.addi %add3A_231, %and3A_237 : vector<16xi32>
    %swap3A = arith.constant 0 : i32
    %swap3A_239 = arith.index_cast %swap3A : i32 to index
    %swap3A_240 = arith.constant 0 : index
    %swap3A_241 = tpu.vector_load %arg7[%swap3A_239, %swap3A_240] {strides = array<i32>} : memref<2x128xi32, #tpu.memory_space<vmem>>, vector<16xi32>,
    tpu.vector_store %arg7[%swap3A_239, %swap3A_240], %add3A_238 {strides = array<i32>} : memref<2x128xi32, #tpu.memory_space<vmem>>, vector<16xi32>,
    %get3A_242 = arith.constant 0 : i32
    %get3A_243 = arith.index_cast %get3A_242 : i32 to index
    %get3A_244 = arith.constant 16 : index
    %get3A_245 = tpu.vector_load %arg6[%get3A_243, %get3A_244] {strides = array<i32>} : memref<200x128xi32, #tpu.memory_space<vmem>>, vector<16xi32>,
    %shift_right_logical3A_246 = arith.constant 14 : i32
    %shift_right_logical3A_247 = vector.broadcast %shift_right_logical3A_246 : i32 to vector<16xi32>
    %shift_right_logical3A_248 = arith.shrui %get3A_245, %shift_right_logical3A_247 : vector<16xi32>
    %mul3A_249 = arith.constant 16384 : i32
    %mul3A_250 = vector.broadcast %mul3A_249 : i32 to vector<16xi32>
    %mul3A_251 = arith.muli %shift_right_logical3A_248, %mul3A_250 : vector<16xi32>
    %and3A_252 = arith.constant 8191 : i32
    %and3A_253 = vector.broadcast %and3A_252 : i32 to vector<16xi32>
    %and3A_254 = arith.andi %get3A_245, %and3A_253 : vector<16xi32>
    %mul3A_255 = arith.constant 2 : i32
    %mul3A_256 = vector.broadcast %mul3A_255 : i32 to vector<16xi32>
    %mul3A_257 = arith.muli %and3A_254, %mul3A_256 : vector<16xi32>
    %add3A_258 = arith.addi %mul3A_251, %mul3A_257 : vector<16xi32>
    %shift_right_logical3A_259 = arith.constant 13 : i32
    %shift_right_logical3A_260 = vector.broadcast %shift_right_logical3A_259 : i32 to vector<16xi32>
    %shift_right_logical3A_261 = arith.shrui %get3A_245, %shift_right_logical3A_260 : vector<16xi32>
    %and3A_262 = arith.constant 1 : i32
    %and3A_263 = vector.broadcast %and3A_262 : i32 to vector<16xi32>
    %and3A_264 = arith.andi %shift_right_logical3A_261, %and3A_263 : vector<16xi32>
    %add3A_265 = arith.addi %add3A_258, %and3A_264 : vector<16xi32>
    %swap3A_266 = arith.constant 0 : i32
    %swap3A_267 = arith.index_cast %swap3A_266 : i32 to index
    %swap3A_268 = arith.constant 16 : index
    %swap3A_269 = tpu.vector_load %arg7[%swap3A_267, %swap3A_268] {strides = array<i32>} : memref<2x128xi32, #tpu.memory_space<vmem>>, vector<16xi32>,
    tpu.vector_store %arg7[%swap3A_267, %swap3A_268], %add3A_265 {strides = array<i32>} : memref<2x128xi32, #tpu.memory_space<vmem>>, vector<16xi32>,
    %get3A_270 = arith.constant 0 : i32
    %get3A_271 = arith.index_cast %get3A_270 : i32 to index
    %get3A_272 = arith.constant 32 : index
    %get3A_273 = tpu.vector_load %arg6[%get3A_271, %get3A_272] {strides = array<i32>} : memref<200x128xi32, #tpu.memory_space<vmem>>, vector<16xi32>,
    %shift_right_logical3A_274 = arith.constant 14 : i32
    %shift_right_logical3A_275 = vector.broadcast %shift_right_logical3A_274 : i32 to vector<16xi32>
    %shift_right_logical3A_276 = arith.shrui %get3A_273, %shift_right_logical3A_275 : vector<16xi32>
    %mul3A_277 = arith.constant 16384 : i32
    %mul3A_278 = vector.broadcast %mul3A_277 : i32 to vector<16xi32>
    %mul3A_279 = arith.muli %shift_right_logical3A_276, %mul3A_278 : vector<16xi32>
    %and3A_280 = arith.constant 8191 : i32
    %and3A_281 = vector.broadcast %and3A_280 : i32 to vector<16xi32>
    %and3A_282 = arith.andi %get3A_273, %and3A_281 : vector<16xi32>
    %mul3A_283 = arith.constant 2 : i32
    %mul3A_284 = vector.broadcast %mul3A_283 : i32 to vector<16xi32>
    %mul3A_285 = arith.muli %and3A_282, %mul3A_284 : vector<16xi32>
    %add3A_286 = arith.addi %mul3A_279, %mul3A_285 : vector<16xi32>
    %shift_right_logical3A_287 = arith.constant 13 : i32
    %shift_right_logical3A_288 = vector.broadcast %shift_right_logical3A_287 : i32 to vector<16xi32>
    %shift_right_logical3A_289 = arith.shrui %get3A_273, %shift_right_logical3A_288 : vector<16xi32>
    %and3A_290 = arith.constant 1 : i32
    %and3A_291 = vector.broadcast %and3A_290 : i32 to vector<16xi32>
    %and3A_292 = arith.andi %shift_right_logical3A_289, %and3A_291 : vector<16xi32>
    %add3A_293 = arith.addi %add3A_286, %and3A_292 : vector<16xi32>
    %swap3A_294 = arith.constant 0 : i32
    %swap3A_295 = arith.index_cast %swap3A_294 : i32 to index
    %swap3A_296 = arith.constant 32 : index
    %swap3A_297 = tpu.vector_load %arg7[%swap3A_295, %swap3A_296] {strides = array<i32>} : memref<2x128xi32, #tpu.memory_space<vmem>>, vector<16xi32>,
    tpu.vector_store %arg7[%swap3A_295, %swap3A_296], %add3A_293 {strides = array<i32>} : memref<2x128xi32, #tpu.memory_space<vmem>>, vector<16xi32>,
    %get3A_298 = arith.constant 0 : i32
    %get3A_299 = arith.index_cast %get3A_298 : i32 to index
    %get3A_300 = arith.constant 48 : index
    %get3A_301 = tpu.vector_load %arg6[%get3A_299, %get3A_300] {strides = array<i32>} : memref<200x128xi32, #tpu.memory_space<vmem>>, vector<16xi32>,
    %shift_right_logical3A_302 = arith.constant 14 : i32
    %shift_right_logical3A_303 = vector.broadcast %shift_right_logical3A_302 : i32 to vector<16xi32>
    %shift_right_logical3A_304 = arith.shrui %get3A_301, %shift_right_logical3A_303 : vector<16xi32>
    %mul3A_305 = arith.constant 16384 : i32
    %mul3A_306 = vector.broadcast %mul3A_305 : i32 to vector<16xi32>
    %mul3A_307 = arith.muli %shift_right_logical3A_304, %mul3A_306 : vector<16xi32>
    %and3A_308 = arith.constant 8191 : i32
    %and3A_309 = vector.broadcast %and3A_308 : i32 to vector<16xi32>
    %and3A_310 = arith.andi %get3A_301, %and3A_309 : vector<16xi32>
    %mul3A_311 = arith.constant 2 : i32
    %mul3A_312 = vector.broadcast %mul3A_311 : i32 to vector<16xi32>
    %mul3A_313 = arith.muli %and3A_310, %mul3A_312 : vector<16xi32>
    %add3A_314 = arith.addi %mul3A_307, %mul3A_313 : vector<16xi32>
    %shift_right_logical3A_315 = arith.constant 13 : i32
    %shift_right_logical3A_316 = vector.broadcast %shift_right_logical3A_315 : i32 to vector<16xi32>
    %shift_right_logical3A_317 = arith.shrui %get3A_301, %shift_right_logical3A_316 : vector<16xi32>
    %and3A_318 = arith.constant 1 : i32
    %and3A_319 = vector.broadcast %and3A_318 : i32 to vector<16xi32>
    %and3A_320 = arith.andi %shift_right_logical3A_317, %and3A_319 : vector<16xi32>
    %add3A_321 = arith.addi %add3A_314, %and3A_320 : vector<16xi32>
    %swap3A_322 = arith.constant 0 : i32
    %swap3A_323 = arith.index_cast %swap3A_322 : i32 to index
    %swap3A_324 = arith.constant 48 : index
    %swap3A_325 = tpu.vector_load %arg7[%swap3A_323, %swap3A_324] {strides = array<i32>} : memref<2x128xi32, #tpu.memory_space<vmem>>, vector<16xi32>,
    tpu.vector_store %arg7[%swap3A_323, %swap3A_324], %add3A_321 {strides = array<i32>} : memref<2x128xi32, #tpu.memory_space<vmem>>, vector<16xi32>,
    %get3A_326 = arith.constant 0 : i32
    %get3A_327 = arith.index_cast %get3A_326 : i32 to index
    %get3A_328 = arith.constant 64 : index
    %get3A_329 = tpu.vector_load %arg6[%get3A_327, %get3A_328] {strides = array<i32>} : memref<200x128xi32, #tpu.memory_space<vmem>>, vector<16xi32>,
    %shift_right_logical3A_330 = arith.constant 14 : i32
    %shift_right_logical3A_331 = vector.broadcast %shift_right_logical3A_330 : i32 to vector<16xi32>
    %shift_right_logical3A_332 = arith.shrui %get3A_329, %shift_right_logical3A_331 : vector<16xi32>
    %mul3A_333 = arith.constant 16384 : i32
    %mul3A_334 = vector.broadcast %mul3A_333 : i32 to vector<16xi32>
    %mul3A_335 = arith.muli %shift_right_logical3A_332, %mul3A_334 : vector<16xi32>
    %and3A_336 = arith.constant 8191 : i32
    %and3A_337 = vector.broadcast %and3A_336 : i32 to vector<16xi32>
    %and3A_338 = arith.andi %get3A_329, %and3A_337 : vector<16xi32>
    %mul3A_339 = arith.constant 2 : i32
    %mul3A_340 = vector.broadcast %mul3A_339 : i32 to vector<16xi32>
    %mul3A_341 = arith.muli %and3A_338, %mul3A_340 : vector<16xi32>
    %add3A_342 = arith.addi %mul3A_335, %mul3A_341 : vector<16xi32>
    %shift_right_logical3A_343 = arith.constant 13 : i32
    %shift_right_logical3A_344 = vector.broadcast %shift_right_logical3A_343 : i32 to vector<16xi32>
    %shift_right_logical3A_345 = arith.shrui %get3A_329, %shift_right_logical3A_344 : vector<16xi32>
    %and3A_346 = arith.constant 1 : i32
    %and3A_347 = vector.broadcast %and3A_346 : i32 to vector<16xi32>
    %and3A_348 = arith.andi %shift_right_logical3A_345, %and3A_347 : vector<16xi32>
    %add3A_349 = arith.addi %add3A_342, %and3A_348 : vector<16xi32>
    %swap3A_350 = arith.constant 0 : i32
    %swap3A_351 = arith.index_cast %swap3A_350 : i32 to index
    %swap3A_352 = arith.constant 64 : index
    %swap3A_353 = tpu.vector_load %arg7[%swap3A_351, %swap3A_352] {strides = array<i32>} : memref<2x128xi32, #tpu.memory_space<vmem>>, vector<16xi32>,
    tpu.vector_store %arg7[%swap3A_351, %swap3A_352], %add3A_349 {strides = array<i32>} : memref<2x128xi32, #tpu.memory_space<vmem>>, vector<16xi32>,
    %get3A_354 = arith.constant 0 : i32
    %get3A_355 = arith.index_cast %get3A_354 : i32 to index
    %get3A_356 = arith.constant 80 : index
    %get3A_357 = tpu.vector_load %arg6[%get3A_355, %get3A_356] {strides = array<i32>} : memref<200x128xi32, #tpu.memory_space<vmem>>, vector<16xi32>,
    %shift_right_logical3A_358 = arith.constant 14 : i32
    %shift_right_logical3A_359 = vector.broadcast %shift_right_logical3A_358 : i32 to vector<16xi32>
    %shift_right_logical3A_360 = arith.shrui %get3A_357, %shift_right_logical3A_359 : vector<16xi32>
    %mul3A_361 = arith.constant 16384 : i32
    %mul3A_362 = vector.broadcast %mul3A_361 : i32 to vector<16xi32>
    %mul3A_363 = arith.muli %shift_right_logical3A_360, %mul3A_362 : vector<16xi32>
    %and3A_364 = arith.constant 8191 : i32
    %and3A_365 = vector.broadcast %and3A_364 : i32 to vector<16xi32>
    %and3A_366 = arith.andi %get3A_357, %and3A_365 : vector<16xi32>
    %mul3A_367 = arith.constant 2 : i32
    %mul3A_368 = vector.broadcast %mul3A_367 : i32 to vector<16xi32>
    %mul3A_369 = arith.muli %and3A_366, %mul3A_368 : vector<16xi32>
    %add3A_370 = arith.addi %mul3A_363, %mul3A_369 : vector<16xi32>
    %shift_right_logical3A_371 = arith.constant 13 : i32
    %shift_right_logical3A_372 = vector.broadcast %shift_right_logical3A_371 : i32 to vector<16xi32>
    %shift_right_logical3A_373 = arith.shrui %get3A_357, %shift_right_logical3A_372 : vector<16xi32>
    %and3A_374 = arith.constant 1 : i32
    %and3A_375 = vector.broadcast %and3A_374 : i32 to vector<16xi32>
    %and3A_376 = arith.andi %shift_right_logical3A_373, %and3A_375 : vector<16xi32>
    %add3A_377 = arith.addi %add3A_370, %and3A_376 : vector<16xi32>
    %swap3A_378 = arith.constant 0 : i32
    %swap3A_379 = arith.index_cast %swap3A_378 : i32 to index
    %swap3A_380 = arith.constant 80 : index
    %swap3A_381 = tpu.vector_load %arg7[%swap3A_379, %swap3A_380] {strides = array<i32>} : memref<2x128xi32, #tpu.memory_space<vmem>>, vector<16xi32>,
    tpu.vector_store %arg7[%swap3A_379, %swap3A_380], %add3A_377 {strides = array<i32>} : memref<2x128xi32, #tpu.memory_space<vmem>>, vector<16xi32>,
    %get3A_382 = arith.constant 0 : i32
    %get3A_383 = arith.index_cast %get3A_382 : i32 to index
    %get3A_384 = arith.constant 96 : index
    %get3A_385 = tpu.vector_load %arg6[%get3A_383, %get3A_384] {strides = array<i32>} : memref<200x128xi32, #tpu.memory_space<vmem>>, vector<16xi32>,
    %shift_right_logical3A_386 = arith.constant 14 : i32
    %shift_right_logical3A_387 = vector.broadcast %shift_right_logical3A_386 : i32 to vector<16xi32>
    %shift_right_logical3A_388 = arith.shrui %get3A_385, %shift_right_logical3A_387 : vector<16xi32>
    %mul3A_389 = arith.constant 16384 : i32
    %mul3A_390 = vector.broadcast %mul3A_389 : i32 to vector<16xi32>
    %mul3A_391 = arith.muli %shift_right_logical3A_388, %mul3A_390 : vector<16xi32>
    %and3A_392 = arith.constant 8191 : i32
    %and3A_393 = vector.broadcast %and3A_392 : i32 to vector<16xi32>
    %and3A_394 = arith.andi %get3A_385, %and3A_393 : vector<16xi32>
    %mul3A_395 = arith.constant 2 : i32
    %mul3A_396 = vector.broadcast %mul3A_395 : i32 to vector<16xi32>
    %mul3A_397 = arith.muli %and3A_394, %mul3A_396 : vector<16xi32>
    %add3A_398 = arith.addi %mul3A_391, %mul3A_397 : vector<16xi32>
    %shift_right_logical3A_399 = arith.constant 13 : i32
    %shift_right_logical3A_400 = vector.broadcast %shift_right_logical3A_399 : i32 to vector<16xi32>
    %shift_right_logical3A_401 = arith.shrui %get3A_385, %shift_right_logical3A_400 : vector<16xi32>
    %and3A_402 = arith.constant 1 : i32
    %and3A_403 = vector.broadcast %and3A_402 : i32 to vector<16xi32>
    %and3A_404 = arith.andi %shift_right_logical3A_401, %and3A_403 : vector<16xi32>
    %add3A_405 = arith.addi %add3A_398, %and3A_404 : vector<16xi32>
    %swap3A_406 = arith.constant 0 : i32
    %swap3A_407 = arith.index_cast %swap3A_406 : i32 to index
    %swap3A_408 = arith.constant 96 : index
    %swap3A_409 = tpu.vector_load %arg7[%swap3A_407, %swap3A_408] {strides = array<i32>} : memref<2x128xi32, #tpu.memory_space<vmem>>, vector<16xi32>,
    tpu.vector_store %arg7[%swap3A_407, %swap3A_408], %add3A_405 {strides = array<i32>} : memref<2x128xi32, #tpu.memory_space<vmem>>, vector<16xi32>,
    %get3A_410 = arith.constant 0 : i32
    %get3A_411 = arith.index_cast %get3A_410 : i32 to index
    %get3A_412 = arith.constant 112 : index
    %get3A_413 = tpu.vector_load %arg6[%get3A_411, %get3A_412] {strides = array<i32>} : memref<200x128xi32, #tpu.memory_space<vmem>>, vector<16xi32>,
    %shift_right_logical3A_414 = arith.constant 14 : i32
    %shift_right_logical3A_415 = vector.broadcast %shift_right_logical3A_414 : i32 to vector<16xi32>
    %shift_right_logical3A_416 = arith.shrui %get3A_413, %shift_right_logical3A_415 : vector<16xi32>
    %mul3A_417 = arith.constant 16384 : i32
    %mul3A_418 = vector.broadcast %mul3A_417 : i32 to vector<16xi32>
    %mul3A_419 = arith.muli %shift_right_logical3A_416, %mul3A_418 : vector<16xi32>
    %and3A_420 = arith.constant 8191 : i32
    %and3A_421 = vector.broadcast %and3A_420 : i32 to vector<16xi32>
    %and3A_422 = arith.andi %get3A_413, %and3A_421 : vector<16xi32>
    %mul3A_423 = arith.constant 2 : i32
    %mul3A_424 = vector.broadcast %mul3A_423 : i32 to vector<16xi32>
    %mul3A_425 = arith.muli %and3A_422, %mul3A_424 : vector<16xi32>
    %add3A_426 = arith.addi %mul3A_419, %mul3A_425 : vector<16xi32>
    %shift_right_logical3A_427 = arith.constant 13 : i32
    %shift_right_logical3A_428 = vector.broadcast %shift_right_logical3A_427 : i32 to vector<16xi32>
    %shift_right_logical3A_429 = arith.shrui %get3A_413, %shift_right_logical3A_428 : vector<16xi32>
    %and3A_430 = arith.constant 1 : i32
    %and3A_431 = vector.broadcast %and3A_430 : i32 to vector<16xi32>
    %and3A_432 = arith.andi %shift_right_logical3A_429, %and3A_431 : vector<16xi32>
    %add3A_433 = arith.addi %add3A_426, %and3A_432 : vector<16xi32>
    %swap3A_434 = arith.constant 0 : i32
    %swap3A_435 = arith.index_cast %swap3A_434 : i32 to index
    %swap3A_436 = arith.constant 112 : index
    %swap3A_437 = tpu.vector_load %arg7[%swap3A_435, %swap3A_436] {strides = array<i32>} : memref<2x128xi32, #tpu.memory_space<vmem>>, vector<16xi32>,
    tpu.vector_store %arg7[%swap3A_435, %swap3A_436], %add3A_433 {strides = array<i32>} : memref<2x128xi32, #tpu.memory_space<vmem>>, vector<16xi32>,
    %dma_start3A = arith.constant 0 : i32
    %dma_start3A_438 = arith.constant 0 : i32
    %dma_start3A_439 = arith.constant 0 : i32
    %dma_start3A_440 = arith.constant 0 : i32
    %dma_start3A_441 = tpu.memref_slice %arg8[%dma_start3A_438, %dma_start3A_439, %dma_start3A_440] : memref<2x128x64xf32, #tpu.memory_space<vmem>> -> memref<1x128x64xf32, #tpu.memory_space<vmem>>
    %dma_start3A_442 = tpu.memref_squeeze %dma_start3A_441 : memref<1x128x64xf32, #tpu.memory_space<vmem>> -> memref<128x64xf32, #tpu.memory_space<vmem>>
    %dma_start3A_443 = arith.constant 0 : i32
    %dma_start3A_444 = tpu.memref_slice %arg7[%dma_start3A, %dma_start3A_443] : memref<2x128xi32, #tpu.memory_space<vmem>> -> memref<1x128xi32, #tpu.memory_space<vmem>>
    %dma_start3A_445 = tpu.memref_squeeze %dma_start3A_444 : memref<1x128xi32, #tpu.memory_space<vmem>> -> memref<128xi32, #tpu.memory_space<vmem>>
    %dma_start3A_446 = arith.constant 0 : i32
    %dma_start3A_447 = arith.constant 0 : i32
    %dma_start3A_448 = tpu.memref_slice %arg3[%dma_start3A_446, %dma_start3A_447] : memref<1015808x64xf32, #tpu.memory_space<hbm>> -> memref<1015808x64xf32, #tpu.memory_space<hbm>>
    tpu.enqueue_indirect_dma source(%dma_start3A_448 : memref<1015808x64xf32, #tpu.memory_space<hbm>>) target(%dma_start3A_442 : memref<128x64xf32, #tpu.memory_space<vmem>>) offsets(%dma_start3A_445 : memref<128xi32, #tpu.memory_space<vmem>>) semaphore(%arg11 : memref<!tpu.dma_semaphore, #tpu.memory_space<semaphore_mem>>)
    %scan3A = arith.constant 0 : i32
    %scan3A_449 = arith.constant 0 : i32
    %scan3A_450 = arith.constant 200 : i32
    %scan3A_451 = arith.addi %scan3A_449, %scan3A_450 : i32
    %scan3A_452 = arith.constant 1 : i32
    scf.for %scan3A_497 = %scan3A_449 to %scan3A_451 step %scan3A_452  : i32 {
      %rem3A_498 = arith.constant 2 : i32
      %rem3A_499 = arith.remsi %scan3A_497, %rem3A_498 : i32
      %add3A_500 = arith.constant 1 : i32
      %add3A_501 = arith.addi %scan3A_497, %add3A_500 : i32
      %rem3A_502 = arith.constant 2 : i32
      %rem3A_503 = arith.remsi %add3A_501, %rem3A_502 : i32
      %add3A_504 = arith.constant 1 : i32
      %add3A_505 = arith.addi %scan3A_497, %add3A_504 : i32
      %lt3A_506 = arith.constant 200 : i32
      %lt3A_507 = arith.cmpi slt, %add3A_505, %lt3A_506 : i32
      %convert_element_type3A = arith.extui %lt3A_507 : i1 to i32
      %cond3A = arith.constant 0 : i32
      %cond3A_508 = arith.cmpi ne, %convert_element_type3A, %cond3A : i32
      scf.if %cond3A_508 {
        %add3A_557 = arith.constant 1 : i32
        %add3A_558 = arith.addi %scan3A_497, %add3A_557 : i32
        %get3A_559 = arith.index_cast %add3A_558 : i32 to index
        %get3A_560 = arith.constant 0 : index
        %get3A_561 = tpu.vector_load %arg6[%get3A_559, %get3A_560] {strides = array<i32>} : memref<200x128xi32, #tpu.memory_space<vmem>>, vector<16xi32>,
        %shift_right_logical3A_562 = arith.constant 14 : i32
        %shift_right_logical3A_563 = vector.broadcast %shift_right_logical3A_562 : i32 to vector<16xi32>
        %shift_right_logical3A_564 = arith.shrui %get3A_561, %shift_right_logical3A_563 : vector<16xi32>
        %mul3A_565 = arith.constant 16384 : i32
        %mul3A_566 = vector.broadcast %mul3A_565 : i32 to vector<16xi32>
        %mul3A_567 = arith.muli %shift_right_logical3A_564, %mul3A_566 : vector<16xi32>
        %and3A_568 = arith.constant 8191 : i32
        %and3A_569 = vector.broadcast %and3A_568 : i32 to vector<16xi32>
        %and3A_570 = arith.andi %get3A_561, %and3A_569 : vector<16xi32>
        %mul3A_571 = arith.constant 2 : i32
        %mul3A_572 = vector.broadcast %mul3A_571 : i32 to vector<16xi32>
        %mul3A_573 = arith.muli %and3A_570, %mul3A_572 : vector<16xi32>
        %add3A_574 = arith.addi %mul3A_567, %mul3A_573 : vector<16xi32>
        %shift_right_logical3A_575 = arith.constant 13 : i32
        %shift_right_logical3A_576 = vector.broadcast %shift_right_logical3A_575 : i32 to vector<16xi32>
        %shift_right_logical3A_577 = arith.shrui %get3A_561, %shift_right_logical3A_576 : vector<16xi32>
        %and3A_578 = arith.constant 1 : i32
        %and3A_579 = vector.broadcast %and3A_578 : i32 to vector<16xi32>
        %and3A_580 = arith.andi %shift_right_logical3A_577, %and3A_579 : vector<16xi32>
        %add3A_581 = arith.addi %add3A_574, %and3A_580 : vector<16xi32>
        %swap3A_582 = arith.index_cast %rem3A_503 : i32 to index
        %swap3A_583 = arith.constant 0 : index
        %swap3A_584 = tpu.vector_load %arg7[%swap3A_582, %swap3A_583] {strides = array<i32>} : memref<2x128xi32, #tpu.memory_space<vmem>>, vector<16xi32>,
        tpu.vector_store %arg7[%swap3A_582, %swap3A_583], %add3A_581 {strides = array<i32>} : memref<2x128xi32, #tpu.memory_space<vmem>>, vector<16xi32>,
        %get3A_585 = arith.index_cast %add3A_558 : i32 to index
        %get3A_586 = arith.constant 16 : index
        %get3A_587 = tpu.vector_load %arg6[%get3A_585, %get3A_586] {strides = array<i32>} : memref<200x128xi32, #tpu.memory_space<vmem>>, vector<16xi32>,
        %shift_right_logical3A_588 = arith.constant 14 : i32
        %shift_right_logical3A_589 = vector.broadcast %shift_right_logical3A_588 : i32 to vector<16xi32>
        %shift_right_logical3A_590 = arith.shrui %get3A_587, %shift_right_logical3A_589 : vector<16xi32>
        %mul3A_591 = arith.constant 16384 : i32
        %mul3A_592 = vector.broadcast %mul3A_591 : i32 to vector<16xi32>
        %mul3A_593 = arith.muli %shift_right_logical3A_590, %mul3A_592 : vector<16xi32>
        %and3A_594 = arith.constant 8191 : i32
        %and3A_595 = vector.broadcast %and3A_594 : i32 to vector<16xi32>
        %and3A_596 = arith.andi %get3A_587, %and3A_595 : vector<16xi32>
        %mul3A_597 = arith.constant 2 : i32
        %mul3A_598 = vector.broadcast %mul3A_597 : i32 to vector<16xi32>
        %mul3A_599 = arith.muli %and3A_596, %mul3A_598 : vector<16xi32>
        %add3A_600 = arith.addi %mul3A_593, %mul3A_599 : vector<16xi32>
        %shift_right_logical3A_601 = arith.constant 13 : i32
        %shift_right_logical3A_602 = vector.broadcast %shift_right_logical3A_601 : i32 to vector<16xi32>
        %shift_right_logical3A_603 = arith.shrui %get3A_587, %shift_right_logical3A_602 : vector<16xi32>
        %and3A_604 = arith.constant 1 : i32
        %and3A_605 = vector.broadcast %and3A_604 : i32 to vector<16xi32>
        %and3A_606 = arith.andi %shift_right_logical3A_603, %and3A_605 : vector<16xi32>
        %add3A_607 = arith.addi %add3A_600, %and3A_606 : vector<16xi32>
        %swap3A_608 = arith.index_cast %rem3A_503 : i32 to index
        %swap3A_609 = arith.constant 16 : index
        %swap3A_610 = tpu.vector_load %arg7[%swap3A_608, %swap3A_609] {strides = array<i32>} : memref<2x128xi32, #tpu.memory_space<vmem>>, vector<16xi32>,
        tpu.vector_store %arg7[%swap3A_608, %swap3A_609], %add3A_607 {strides = array<i32>} : memref<2x128xi32, #tpu.memory_space<vmem>>, vector<16xi32>,
        %get3A_611 = arith.index_cast %add3A_558 : i32 to index
        %get3A_612 = arith.constant 32 : index
        %get3A_613 = tpu.vector_load %arg6[%get3A_611, %get3A_612] {strides = array<i32>} : memref<200x128xi32, #tpu.memory_space<vmem>>, vector<16xi32>,
        %shift_right_logical3A_614 = arith.constant 14 : i32
        %shift_right_logical3A_615 = vector.broadcast %shift_right_logical3A_614 : i32 to vector<16xi32>
        %shift_right_logical3A_616 = arith.shrui %get3A_613, %shift_right_logical3A_615 : vector<16xi32>
        %mul3A_617 = arith.constant 16384 : i32
        %mul3A_618 = vector.broadcast %mul3A_617 : i32 to vector<16xi32>
        %mul3A_619 = arith.muli %shift_right_logical3A_616, %mul3A_618 : vector<16xi32>
        %and3A_620 = arith.constant 8191 : i32
        %and3A_621 = vector.broadcast %and3A_620 : i32 to vector<16xi32>
        %and3A_622 = arith.andi %get3A_613, %and3A_621 : vector<16xi32>
        %mul3A_623 = arith.constant 2 : i32
        %mul3A_624 = vector.broadcast %mul3A_623 : i32 to vector<16xi32>
        %mul3A_625 = arith.muli %and3A_622, %mul3A_624 : vector<16xi32>
        %add3A_626 = arith.addi %mul3A_619, %mul3A_625 : vector<16xi32>
        %shift_right_logical3A_627 = arith.constant 13 : i32
        %shift_right_logical3A_628 = vector.broadcast %shift_right_logical3A_627 : i32 to vector<16xi32>
        %shift_right_logical3A_629 = arith.shrui %get3A_613, %shift_right_logical3A_628 : vector<16xi32>
        %and3A_630 = arith.constant 1 : i32
        %and3A_631 = vector.broadcast %and3A_630 : i32 to vector<16xi32>
        %and3A_632 = arith.andi %shift_right_logical3A_629, %and3A_631 : vector<16xi32>
        %add3A_633 = arith.addi %add3A_626, %and3A_632 : vector<16xi32>
        %swap3A_634 = arith.index_cast %rem3A_503 : i32 to index
        %swap3A_635 = arith.constant 32 : index
        %swap3A_636 = tpu.vector_load %arg7[%swap3A_634, %swap3A_635] {strides = array<i32>} : memref<2x128xi32, #tpu.memory_space<vmem>>, vector<16xi32>,
        tpu.vector_store %arg7[%swap3A_634, %swap3A_635], %add3A_633 {strides = array<i32>} : memref<2x128xi32, #tpu.memory_space<vmem>>, vector<16xi32>,
        %get3A_637 = arith.index_cast %add3A_558 : i32 to index
        %get3A_638 = arith.constant 48 : index
        %get3A_639 = tpu.vector_load %arg6[%get3A_637, %get3A_638] {strides = array<i32>} : memref<200x128xi32, #tpu.memory_space<vmem>>, vector<16xi32>,
        %shift_right_logical3A_640 = arith.constant 14 : i32
        %shift_right_logical3A_641 = vector.broadcast %shift_right_logical3A_640 : i32 to vector<16xi32>
        %shift_right_logical3A_642 = arith.shrui %get3A_639, %shift_right_logical3A_641 : vector<16xi32>
        %mul3A_643 = arith.constant 16384 : i32
        %mul3A_644 = vector.broadcast %mul3A_643 : i32 to vector<16xi32>
        %mul3A_645 = arith.muli %shift_right_logical3A_642, %mul3A_644 : vector<16xi32>
        %and3A_646 = arith.constant 8191 : i32
        %and3A_647 = vector.broadcast %and3A_646 : i32 to vector<16xi32>
        %and3A_648 = arith.andi %get3A_639, %and3A_647 : vector<16xi32>
        %mul3A_649 = arith.constant 2 : i32
        %mul3A_650 = vector.broadcast %mul3A_649 : i32 to vector<16xi32>
        %mul3A_651 = arith.muli %and3A_648, %mul3A_650 : vector<16xi32>
        %add3A_652 = arith.addi %mul3A_645, %mul3A_651 : vector<16xi32>
        %shift_right_logical3A_653 = arith.constant 13 : i32
        %shift_right_logical3A_654 = vector.broadcast %shift_right_logical3A_653 : i32 to vector<16xi32>
        %shift_right_logical3A_655 = arith.shrui %get3A_639, %shift_right_logical3A_654 : vector<16xi32>
        %and3A_656 = arith.constant 1 : i32
        %and3A_657 = vector.broadcast %and3A_656 : i32 to vector<16xi32>
        %and3A_658 = arith.andi %shift_right_logical3A_655, %and3A_657 : vector<16xi32>
        %add3A_659 = arith.addi %add3A_652, %and3A_658 : vector<16xi32>
        %swap3A_660 = arith.index_cast %rem3A_503 : i32 to index
        %swap3A_661 = arith.constant 48 : index
        %swap3A_662 = tpu.vector_load %arg7[%swap3A_660, %swap3A_661] {strides = array<i32>} : memref<2x128xi32, #tpu.memory_space<vmem>>, vector<16xi32>,
        tpu.vector_store %arg7[%swap3A_660, %swap3A_661], %add3A_659 {strides = array<i32>} : memref<2x128xi32, #tpu.memory_space<vmem>>, vector<16xi32>,
        %get3A_663 = arith.index_cast %add3A_558 : i32 to index
        %get3A_664 = arith.constant 64 : index
        %get3A_665 = tpu.vector_load %arg6[%get3A_663, %get3A_664] {strides = array<i32>} : memref<200x128xi32, #tpu.memory_space<vmem>>, vector<16xi32>,
        %shift_right_logical3A_666 = arith.constant 14 : i32
        %shift_right_logical3A_667 = vector.broadcast %shift_right_logical3A_666 : i32 to vector<16xi32>
        %shift_right_logical3A_668 = arith.shrui %get3A_665, %shift_right_logical3A_667 : vector<16xi32>
        %mul3A_669 = arith.constant 16384 : i32
        %mul3A_670 = vector.broadcast %mul3A_669 : i32 to vector<16xi32>
        %mul3A_671 = arith.muli %shift_right_logical3A_668, %mul3A_670 : vector<16xi32>
        %and3A_672 = arith.constant 8191 : i32
        %and3A_673 = vector.broadcast %and3A_672 : i32 to vector<16xi32>
        %and3A_674 = arith.andi %get3A_665, %and3A_673 : vector<16xi32>
        %mul3A_675 = arith.constant 2 : i32
        %mul3A_676 = vector.broadcast %mul3A_675 : i32 to vector<16xi32>
        %mul3A_677 = arith.muli %and3A_674, %mul3A_676 : vector<16xi32>
        %add3A_678 = arith.addi %mul3A_671, %mul3A_677 : vector<16xi32>
        %shift_right_logical3A_679 = arith.constant 13 : i32
        %shift_right_logical3A_680 = vector.broadcast %shift_right_logical3A_679 : i32 to vector<16xi32>
        %shift_right_logical3A_681 = arith.shrui %get3A_665, %shift_right_logical3A_680 : vector<16xi32>
        %and3A_682 = arith.constant 1 : i32
        %and3A_683 = vector.broadcast %and3A_682 : i32 to vector<16xi32>
        %and3A_684 = arith.andi %shift_right_logical3A_681, %and3A_683 : vector<16xi32>
        %add3A_685 = arith.addi %add3A_678, %and3A_684 : vector<16xi32>
        %swap3A_686 = arith.index_cast %rem3A_503 : i32 to index
        %swap3A_687 = arith.constant 64 : index
        %swap3A_688 = tpu.vector_load %arg7[%swap3A_686, %swap3A_687] {strides = array<i32>} : memref<2x128xi32, #tpu.memory_space<vmem>>, vector<16xi32>,
        tpu.vector_store %arg7[%swap3A_686, %swap3A_687], %add3A_685 {strides = array<i32>} : memref<2x128xi32, #tpu.memory_space<vmem>>, vector<16xi32>,
        %get3A_689 = arith.index_cast %add3A_558 : i32 to index
        %get3A_690 = arith.constant 80 : index
        %get3A_691 = tpu.vector_load %arg6[%get3A_689, %get3A_690] {strides = array<i32>} : memref<200x128xi32, #tpu.memory_space<vmem>>, vector<16xi32>,
        %shift_right_logical3A_692 = arith.constant 14 : i32
        %shift_right_logical3A_693 = vector.broadcast %shift_right_logical3A_692 : i32 to vector<16xi32>
        %shift_right_logical3A_694 = arith.shrui %get3A_691, %shift_right_logical3A_693 : vector<16xi32>
        %mul3A_695 = arith.constant 16384 : i32
        %mul3A_696 = vector.broadcast %mul3A_695 : i32 to vector<16xi32>
        %mul3A_697 = arith.muli %shift_right_logical3A_694, %mul3A_696 : vector<16xi32>
        %and3A_698 = arith.constant 8191 : i32
        %and3A_699 = vector.broadcast %and3A_698 : i32 to vector<16xi32>
        %and3A_700 = arith.andi %get3A_691, %and3A_699 : vector<16xi32>
        %mul3A_701 = arith.constant 2 : i32
        %mul3A_702 = vector.broadcast %mul3A_701 : i32 to vector<16xi32>
        %mul3A_703 = arith.muli %and3A_700, %mul3A_702 : vector<16xi32>
        %add3A_704 = arith.addi %mul3A_697, %mul3A_703 : vector<16xi32>
        %shift_right_logical3A_705 = arith.constant 13 : i32
        %shift_right_logical3A_706 = vector.broadcast %shift_right_logical3A_705 : i32 to vector<16xi32>
        %shift_right_logical3A_707 = arith.shrui %get3A_691, %shift_right_logical3A_706 : vector<16xi32>
        %and3A_708 = arith.constant 1 : i32
        %and3A_709 = vector.broadcast %and3A_708 : i32 to vector<16xi32>
        %and3A_710 = arith.andi %shift_right_logical3A_707, %and3A_709 : vector<16xi32>
        %add3A_711 = arith.addi %add3A_704, %and3A_710 : vector<16xi32>
        %swap3A_712 = arith.index_cast %rem3A_503 : i32 to index
        %swap3A_713 = arith.constant 80 : index
        %swap3A_714 = tpu.vector_load %arg7[%swap3A_712, %swap3A_713] {strides = array<i32>} : memref<2x128xi32, #tpu.memory_space<vmem>>, vector<16xi32>,
        tpu.vector_store %arg7[%swap3A_712, %swap3A_713], %add3A_711 {strides = array<i32>} : memref<2x128xi32, #tpu.memory_space<vmem>>, vector<16xi32>,
        %get3A_715 = arith.index_cast %add3A_558 : i32 to index
        %get3A_716 = arith.constant 96 : index
        %get3A_717 = tpu.vector_load %arg6[%get3A_715, %get3A_716] {strides = array<i32>} : memref<200x128xi32, #tpu.memory_space<vmem>>, vector<16xi32>,
        %shift_right_logical3A_718 = arith.constant 14 : i32
        %shift_right_logical3A_719 = vector.broadcast %shift_right_logical3A_718 : i32 to vector<16xi32>
        %shift_right_logical3A_720 = arith.shrui %get3A_717, %shift_right_logical3A_719 : vector<16xi32>
        %mul3A_721 = arith.constant 16384 : i32
        %mul3A_722 = vector.broadcast %mul3A_721 : i32 to vector<16xi32>
        %mul3A_723 = arith.muli %shift_right_logical3A_720, %mul3A_722 : vector<16xi32>
        %and3A_724 = arith.constant 8191 : i32
        %and3A_725 = vector.broadcast %and3A_724 : i32 to vector<16xi32>
        %and3A_726 = arith.andi %get3A_717, %and3A_725 : vector<16xi32>
        %mul3A_727 = arith.constant 2 : i32
        %mul3A_728 = vector.broadcast %mul3A_727 : i32 to vector<16xi32>
        %mul3A_729 = arith.muli %and3A_726, %mul3A_728 : vector<16xi32>
        %add3A_730 = arith.addi %mul3A_723, %mul3A_729 : vector<16xi32>
        %shift_right_logical3A_731 = arith.constant 13 : i32
        %shift_right_logical3A_732 = vector.broadcast %shift_right_logical3A_731 : i32 to vector<16xi32>
        %shift_right_logical3A_733 = arith.shrui %get3A_717, %shift_right_logical3A_732 : vector<16xi32>
        %and3A_734 = arith.constant 1 : i32
        %and3A_735 = vector.broadcast %and3A_734 : i32 to vector<16xi32>
        %and3A_736 = arith.andi %shift_right_logical3A_733, %and3A_735 : vector<16xi32>
        %add3A_737 = arith.addi %add3A_730, %and3A_736 : vector<16xi32>
        %swap3A_738 = arith.index_cast %rem3A_503 : i32 to index
        %swap3A_739 = arith.constant 96 : index
        %swap3A_740 = tpu.vector_load %arg7[%swap3A_738, %swap3A_739] {strides = array<i32>} : memref<2x128xi32, #tpu.memory_space<vmem>>, vector<16xi32>,
        tpu.vector_store %arg7[%swap3A_738, %swap3A_739], %add3A_737 {strides = array<i32>} : memref<2x128xi32, #tpu.memory_space<vmem>>, vector<16xi32>,
        %get3A_741 = arith.index_cast %add3A_558 : i32 to index
        %get3A_742 = arith.constant 112 : index
        %get3A_743 = tpu.vector_load %arg6[%get3A_741, %get3A_742] {strides = array<i32>} : memref<200x128xi32, #tpu.memory_space<vmem>>, vector<16xi32>,
        %shift_right_logical3A_744 = arith.constant 14 : i32
        %shift_right_logical3A_745 = vector.broadcast %shift_right_logical3A_744 : i32 to vector<16xi32>
        %shift_right_logical3A_746 = arith.shrui %get3A_743, %shift_right_logical3A_745 : vector<16xi32>
        %mul3A_747 = arith.constant 16384 : i32
        %mul3A_748 = vector.broadcast %mul3A_747 : i32 to vector<16xi32>
        %mul3A_749 = arith.muli %shift_right_logical3A_746, %mul3A_748 : vector<16xi32>
        %and3A_750 = arith.constant 8191 : i32
        %and3A_751 = vector.broadcast %and3A_750 : i32 to vector<16xi32>
        %and3A_752 = arith.andi %get3A_743, %and3A_751 : vector<16xi32>
        %mul3A_753 = arith.constant 2 : i32
        %mul3A_754 = vector.broadcast %mul3A_753 : i32 to vector<16xi32>
        %mul3A_755 = arith.muli %and3A_752, %mul3A_754 : vector<16xi32>
        %add3A_756 = arith.addi %mul3A_749, %mul3A_755 : vector<16xi32>
        %shift_right_logical3A_757 = arith.constant 13 : i32
        %shift_right_logical3A_758 = vector.broadcast %shift_right_logical3A_757 : i32 to vector<16xi32>
        %shift_right_logical3A_759 = arith.shrui %get3A_743, %shift_right_logical3A_758 : vector<16xi32>
        %and3A_760 = arith.constant 1 : i32
        %and3A_761 = vector.broadcast %and3A_760 : i32 to vector<16xi32>
        %and3A_762 = arith.andi %shift_right_logical3A_759, %and3A_761 : vector<16xi32>
        %add3A_763 = arith.addi %add3A_756, %and3A_762 : vector<16xi32>
        %swap3A_764 = arith.index_cast %rem3A_503 : i32 to index
        %swap3A_765 = arith.constant 112 : index
        %swap3A_766 = tpu.vector_load %arg7[%swap3A_764, %swap3A_765] {strides = array<i32>} : memref<2x128xi32, #tpu.memory_space<vmem>>, vector<16xi32>,
        tpu.vector_store %arg7[%swap3A_764, %swap3A_765], %add3A_763 {strides = array<i32>} : memref<2x128xi32, #tpu.memory_space<vmem>>, vector<16xi32>,
        %dma_start3A_767 = arith.constant 0 : i32
        %dma_start3A_768 = arith.constant 0 : i32
        %dma_start3A_769 = tpu.memref_slice %arg8[%rem3A_503, %dma_start3A_767, %dma_start3A_768] : memref<2x128x64xf32, #tpu.memory_space<vmem>> -> memref<1x128x64xf32, #tpu.memory_space<vmem>>
        %dma_start3A_770 = tpu.memref_squeeze %dma_start3A_769 : memref<1x128x64xf32, #tpu.memory_space<vmem>> -> memref<128x64xf32, #tpu.memory_space<vmem>>
        %dma_start3A_771 = arith.constant 0 : i32
        %dma_start3A_772 = tpu.memref_slice %arg7[%rem3A_503, %dma_start3A_771] : memref<2x128xi32, #tpu.memory_space<vmem>> -> memref<1x128xi32, #tpu.memory_space<vmem>>
        %dma_start3A_773 = tpu.memref_squeeze %dma_start3A_772 : memref<1x128xi32, #tpu.memory_space<vmem>> -> memref<128xi32, #tpu.memory_space<vmem>>
        %dma_start3A_774 = arith.constant 0 : i32
        %dma_start3A_775 = arith.constant 0 : i32
        %dma_start3A_776 = tpu.memref_slice %arg3[%dma_start3A_774, %dma_start3A_775] : memref<1015808x64xf32, #tpu.memory_space<hbm>> -> memref<1015808x64xf32, #tpu.memory_space<hbm>>
        tpu.enqueue_indirect_dma source(%dma_start3A_776 : memref<1015808x64xf32, #tpu.memory_space<hbm>>) target(%dma_start3A_770 : memref<128x64xf32, #tpu.memory_space<vmem>>) offsets(%dma_start3A_773 : memref<128xi32, #tpu.memory_space<vmem>>) semaphore(%arg11 : memref<!tpu.dma_semaphore, #tpu.memory_space<semaphore_mem>>)
      } else {
      }
      %dma_wait3A_509 = arith.constant 0 : i32
      %dma_wait3A_510 = arith.constant 0 : i32
      %dma_wait3A_511 = tpu.memref_slice %arg8[%rem3A_499, %dma_wait3A_509, %dma_wait3A_510] : memref<2x128x64xf32, #tpu.memory_space<vmem>> -> memref<1x128x64xf32, #tpu.memory_space<vmem>>
      %dma_wait3A_512 = tpu.memref_squeeze %dma_wait3A_511 : memref<1x128x64xf32, #tpu.memory_space<vmem>> -> memref<128x64xf32, #tpu.memory_space<vmem>>
      %dma_wait3A_513 = arith.constant 0 : i32
      %dma_wait3A_514 = tpu.memref_slice %arg7[%rem3A_499, %dma_wait3A_513] : memref<2x128xi32, #tpu.memory_space<vmem>> -> memref<1x128xi32, #tpu.memory_space<vmem>>
      %dma_wait3A_515 = tpu.memref_squeeze %dma_wait3A_514 : memref<1x128xi32, #tpu.memory_space<vmem>> -> memref<128xi32, #tpu.memory_space<vmem>>
      %dma_wait3A_516 = arith.constant 0 : i32
      %dma_wait3A_517 = arith.constant 0 : i32
      %dma_wait3A_518 = tpu.memref_slice %arg3[%dma_wait3A_516, %dma_wait3A_517] : memref<1015808x64xf32, #tpu.memory_space<hbm>> -> memref<1015808x64xf32, #tpu.memory_space<hbm>>
      tpu.wait_indirect_dma semaphore(%arg11 : memref<!tpu.dma_semaphore, #tpu.memory_space<semaphore_mem>>) src(%dma_wait3A_518 : memref<1015808x64xf32, #tpu.memory_space<hbm>>) dst(%dma_wait3A_512 : memref<128x64xf32, #tpu.memory_space<vmem>>)
      %ge3A = arith.constant 2 : i32
      %ge3A_519 = arith.cmpi sge, %scan3A_497, %ge3A : i32
      %convert_element_type3A_520 = arith.extui %ge3A_519 : i1 to i32
      %cond3A_521 = arith.constant 0 : i32
      %cond3A_522 = arith.cmpi ne, %convert_element_type3A_520, %cond3A_521 : i32
      scf.if %cond3A_522 {
        %dma_wait3A_557 = arith.constant 0 : i32
        %dma_wait3A_558 = arith.constant 0 : i32
        %dma_wait3A_559 = arith.constant 0 : i32
        %dma_wait3A_560 = tpu.memref_slice %arg9[%rem3A_499, %dma_wait3A_557, %dma_wait3A_558, %dma_wait3A_559] : memref<2x8x8x129xf32, #tpu.memory_space<vmem>> -> memref<1x8x8x128xf32, #tpu.memory_space<vmem>>
        %dma_wait3A_561 = tpu.memref_squeeze %dma_wait3A_560 : memref<1x8x8x128xf32, #tpu.memory_space<vmem>> -> memref<8x8x128xf32, #tpu.memory_space<vmem>>
        %dma_wait3A_562 = arith.constant 0 : i32
        %dma_wait3A_563 = arith.constant 0 : i32
        %dma_wait3A_564 = arith.constant 0 : i32
        %dma_wait3A_565 = tpu.memref_slice %arg5[%scan3A_497, %dma_wait3A_562, %add3A, %dma_wait3A_563, %dma_wait3A_564] : memref<200x8x32x8x128xf32, #tpu.memory_space<hbm>> -> memref<1x8x1x8x128xf32, #tpu.memory_space<hbm>>
        %dma_wait3A_566 = tpu.memref_squeeze %dma_wait3A_565 : memref<1x8x1x8x128xf32, #tpu.memory_space<hbm>> -> memref<8x8x128xf32, #tpu.memory_space<hbm>>
        %dma_wait3A_567 = arith.constant 0 : i32
        %dma_wait3A_568 = arith.constant 0 : i32
        %dma_wait3A_569 = arith.constant 0 : i32
        %dma_wait3A_570 = tpu.memref_slice %arg5[%scan3A_497, %dma_wait3A_567, %add3A, %dma_wait3A_568, %dma_wait3A_569] : memref<200x8x32x8x128xf32, #tpu.memory_space<hbm>> -> memref<1x8x1x8x128xf32, #tpu.memory_space<hbm>>
        %dma_wait3A_571 = tpu.memref_squeeze %dma_wait3A_570 : memref<1x8x1x8x128xf32, #tpu.memory_space<hbm>> -> memref<8x8x128xf32, #tpu.memory_space<hbm>>
        %dma_wait3A_572 = arith.constant 0 : i32
        %dma_wait3A_573 = arith.constant 0 : i32
        %dma_wait3A_574 = arith.constant 0 : i32
        %dma_wait3A_575 = tpu.memref_slice %arg9[%rem3A_499, %dma_wait3A_572, %dma_wait3A_573, %dma_wait3A_574] : memref<2x8x8x129xf32, #tpu.memory_space<vmem>> -> memref<1x8x8x128xf32, #tpu.memory_space<vmem>>
        %dma_wait3A_576 = tpu.memref_squeeze %dma_wait3A_575 : memref<1x8x8x128xf32, #tpu.memory_space<vmem>> -> memref<8x8x128xf32, #tpu.memory_space<vmem>>
        tpu.wait_dma2 semaphore(%arg12 : memref<!tpu.dma_semaphore, #tpu.memory_space<semaphore_mem>>) src(%dma_wait3A_576 : memref<8x8x128xf32, #tpu.memory_space<vmem>>) dst(%dma_wait3A_571 : memref<8x8x128xf32, #tpu.memory_space<hbm>>)
      } else {
      }
      %get3A_523 = arith.index_cast %scan3A_497 : i32 to index
      %get3A_524 = arith.constant 0 : index
      %get3A_525 = tpu.vector_load %arg10[%get3A_523, %get3A_524] {strides = array<i32>} : memref<200x64xf32, #tpu.memory_space<vmem>>, vector<16xf32>,
      %get3A_526 = arith.index_cast %scan3A_497 : i32 to index
      %get3A_527 = arith.constant 16 : index
      %get3A_528 = tpu.vector_load %arg10[%get3A_526, %get3A_527] {strides = array<i32>} : memref<200x64xf32, #tpu.memory_space<vmem>>, vector<16xf32>,
      %get3A_529 = arith.index_cast %scan3A_497 : i32 to index
      %get3A_530 = arith.constant 32 : index
      %get3A_531 = tpu.vector_load %arg10[%get3A_529, %get3A_530] {strides = array<i32>} : memref<200x64xf32, #tpu.memory_space<vmem>>, vector<16xf32>,
      %get3A_532 = arith.index_cast %scan3A_497 : i32 to index
      %get3A_533 = arith.constant 48 : index
      %get3A_534 = tpu.vector_load %arg10[%get3A_532, %get3A_533] {strides = array<i32>} : memref<200x64xf32, #tpu.memory_space<vmem>>, vector<16xf32>,
      %parallel_loop3A = arith.constant 0 : i32
      %parallel_loop3A_535 = arith.constant 128 : i32
      %parallel_loop3A_536 = arith.constant 1 : i32
      scf.for %parallel_loop3A_557 = %parallel_loop3A to %parallel_loop3A_535 step %parallel_loop3A_536  : i32 {
        %parallel_loop3A_558 = vector.broadcast %parallel_loop3A_557 : i32 to vector<16xi32>
        %parallel_loop3A_559 = arith.index_cast %rem3A_499 : i32 to index
        %parallel_loop3A_560 = arith.index_cast %parallel_loop3A_557 : i32 to index
        %parallel_loop3A_561 = arith.constant 0 : index
        %parallel_loop3A_562 = tpu.vector_load %arg8[%parallel_loop3A_559, %parallel_loop3A_560, %parallel_loop3A_561] {strides = array<i32>} : memref<2x128x64xf32, #tpu.memory_space<vmem>>, vector<16xf32>,
        %parallel_loop3A_563 = arith.index_cast %rem3A_499 : i32 to index
        %parallel_loop3A_564 = arith.index_cast %parallel_loop3A_557 : i32 to index
        %parallel_loop3A_565 = arith.constant 16 : index
        %parallel_loop3A_566 = tpu.vector_load %arg8[%parallel_loop3A_563, %parallel_loop3A_564, %parallel_loop3A_565] {strides = array<i32>} : memref<2x128x64xf32, #tpu.memory_space<vmem>>, vector<16xf32>,
        %parallel_loop3A_567 = arith.index_cast %rem3A_499 : i32 to index
        %parallel_loop3A_568 = arith.index_cast %parallel_loop3A_557 : i32 to index
        %parallel_loop3A_569 = arith.constant 32 : index
        %parallel_loop3A_570 = tpu.vector_load %arg8[%parallel_loop3A_567, %parallel_loop3A_568, %parallel_loop3A_569] {strides = array<i32>} : memref<2x128x64xf32, #tpu.memory_space<vmem>>, vector<16xf32>,
        %parallel_loop3A_571 = arith.index_cast %rem3A_499 : i32 to index
        %parallel_loop3A_572 = arith.index_cast %parallel_loop3A_557 : i32 to index
        %parallel_loop3A_573 = arith.constant 48 : index
        %parallel_loop3A_574 = tpu.vector_load %arg8[%parallel_loop3A_571, %parallel_loop3A_572, %parallel_loop3A_573] {strides = array<i32>} : memref<2x128x64xf32, #tpu.memory_space<vmem>>, vector<16xf32>,
        %parallel_loop3A_575 = arith.addf %parallel_loop3A_562, %get3A_525 : vector<16xf32>
        %parallel_loop3A_576 = arith.addf %parallel_loop3A_566, %get3A_528 : vector<16xf32>
        %parallel_loop3A_577 = arith.addf %parallel_loop3A_570, %get3A_531 : vector<16xf32>
        %parallel_loop3A_578 = arith.addf %parallel_loop3A_574, %get3A_534 : vector<16xf32>
        %parallel_loop3A_579 = arith.constant 0 : i32
        %parallel_loop3A_580 = arith.constant 0 : i32
        %parallel_loop3A_581 = arith.constant 0 : i32
        %parallel_loop3A_582 = tpu.memref_slice %arg9[%rem3A_499, %parallel_loop3A_579, %parallel_loop3A_580, %parallel_loop3A_581] : memref<2x8x8x129xf32, #tpu.memory_space<vmem>> -> memref<1x8x8x129xf32, #tpu.memory_space<vmem>>
        %parallel_loop3A_583 = tpu.memref_squeeze %parallel_loop3A_582 : memref<1x8x8x129xf32, #tpu.memory_space<vmem>> -> memref<8x8x129xf32, #tpu.memory_space<vmem>>
        tpu.vector_store_idx %parallel_loop3A_583[%select_n3A, %select_n3A_150, %parallel_loop3A_558], %parallel_loop3A_575 : memref<8x8x129xf32, #tpu.memory_space<vmem>>[vector<16xi32>, vector<16xi32>, vector<16xi32>], vector<16xf32>,
        %parallel_loop3A_584 = arith.constant 0 : i32
        %parallel_loop3A_585 = arith.constant 0 : i32
        %parallel_loop3A_586 = arith.constant 0 : i32
        %parallel_loop3A_587 = tpu.memref_slice %arg9[%rem3A_499, %parallel_loop3A_584, %parallel_loop3A_585, %parallel_loop3A_586] : memref<2x8x8x129xf32, #tpu.memory_space<vmem>> -> memref<1x8x8x129xf32, #tpu.memory_space<vmem>>
        %parallel_loop3A_588 = tpu.memref_squeeze %parallel_loop3A_587 : memref<1x8x8x129xf32, #tpu.memory_space<vmem>> -> memref<8x8x129xf32, #tpu.memory_space<vmem>>
        tpu.vector_store_idx %parallel_loop3A_588[%select_n3A_62, %select_n3A_172, %parallel_loop3A_558], %parallel_loop3A_576 : memref<8x8x129xf32, #tpu.memory_space<vmem>>[vector<16xi32>, vector<16xi32>, vector<16xi32>], vector<16xf32>,
        %parallel_loop3A_589 = arith.constant 0 : i32
        %parallel_loop3A_590 = arith.constant 0 : i32
        %parallel_loop3A_591 = arith.constant 0 : i32
        %parallel_loop3A_592 = tpu.memref_slice %arg9[%rem3A_499, %parallel_loop3A_589, %parallel_loop3A_590, %parallel_loop3A_591] : memref<2x8x8x129xf32, #tpu.memory_space<vmem>> -> memref<1x8x8x129xf32, #tpu.memory_space<vmem>>
        %parallel_loop3A_593 = tpu.memref_squeeze %parallel_loop3A_592 : memref<1x8x8x129xf32, #tpu.memory_space<vmem>> -> memref<8x8x129xf32, #tpu.memory_space<vmem>>
        tpu.vector_store_idx %parallel_loop3A_593[%select_n3A_96, %select_n3A_194, %parallel_loop3A_558], %parallel_loop3A_577 : memref<8x8x129xf32, #tpu.memory_space<vmem>>[vector<16xi32>, vector<16xi32>, vector<16xi32>], vector<16xf32>,
        %parallel_loop3A_594 = arith.constant 0 : i32
        %parallel_loop3A_595 = arith.constant 0 : i32
        %parallel_loop3A_596 = arith.constant 0 : i32
        %parallel_loop3A_597 = tpu.memref_slice %arg9[%rem3A_499, %parallel_loop3A_594, %parallel_loop3A_595, %parallel_loop3A_596] : memref<2x8x8x129xf32, #tpu.memory_space<vmem>> -> memref<1x8x8x129xf32, #tpu.memory_space<vmem>>
        %parallel_loop3A_598 = tpu.memref_squeeze %parallel_loop3A_597 : memref<1x8x8x129xf32, #tpu.memory_space<vmem>> -> memref<8x8x129xf32, #tpu.memory_space<vmem>>
        tpu.vector_store_idx %parallel_loop3A_598[%select_n3A_130, %select_n3A_216, %parallel_loop3A_558], %parallel_loop3A_578 : memref<8x8x129xf32, #tpu.memory_space<vmem>>[vector<16xi32>, vector<16xi32>, vector<16xi32>], vector<16xf32>,
      } {sc.loop_unroll_factor = 4 : i64, sc.parallel_access}
      %dma_start3A_537 = arith.constant 0 : i32
      %dma_start3A_538 = arith.constant 0 : i32
      %dma_start3A_539 = arith.constant 0 : i32
      %dma_start3A_540 = tpu.memref_slice %arg9[%rem3A_499, %dma_start3A_537, %dma_start3A_538, %dma_start3A_539] : memref<2x8x8x129xf32, #tpu.memory_space<vmem>> -> memref<1x8x8x128xf32, #tpu.memory_space<vmem>>
      %dma_start3A_541 = tpu.memref_squeeze %dma_start3A_540 : memref<1x8x8x128xf32, #tpu.memory_space<vmem>> -> memref<8x8x128xf32, #tpu.memory_space<vmem>>
      %dma_start3A_542 = arith.constant 0 : i32
      %dma_start3A_543 = arith.constant 0 : i32
      %dma_start3A_544 = arith.constant 0 : i32
      %dma_start3A_545 = tpu.memref_slice %arg5[%scan3A_497, %dma_start3A_542, %add3A, %dma_start3A_543, %dma_start3A_544] : memref<200x8x32x8x128xf32, #tpu.memory_space<hbm>> -> memref<1x8x1x8x128xf32, #tpu.memory_space<hbm>>
      %dma_start3A_546 = tpu.memref_squeeze %dma_start3A_545 : memref<1x8x1x8x128xf32, #tpu.memory_space<hbm>> -> memref<8x8x128xf32, #tpu.memory_space<hbm>>
      %dma_start3A_547 = arith.constant 0 : i32
      %dma_start3A_548 = arith.constant 0 : i32
      %dma_start3A_549 = arith.constant 0 : i32
      %dma_start3A_550 = tpu.memref_slice %arg5[%scan3A_497, %dma_start3A_547, %add3A, %dma_start3A_548, %dma_start3A_549] : memref<200x8x32x8x128xf32, #tpu.memory_space<hbm>> -> memref<1x8x1x8x128xf32, #tpu.memory_space<hbm>>
      %dma_start3A_551 = tpu.memref_squeeze %dma_start3A_550 : memref<1x8x1x8x128xf32, #tpu.memory_space<hbm>> -> memref<8x8x128xf32, #tpu.memory_space<hbm>>
      %dma_start3A_552 = arith.constant 0 : i32
      %dma_start3A_553 = arith.constant 0 : i32
      %dma_start3A_554 = arith.constant 0 : i32
      %dma_start3A_555 = tpu.memref_slice %arg9[%rem3A_499, %dma_start3A_552, %dma_start3A_553, %dma_start3A_554] : memref<2x8x8x129xf32, #tpu.memory_space<vmem>> -> memref<1x8x8x128xf32, #tpu.memory_space<vmem>>
      %dma_start3A_556 = tpu.memref_squeeze %dma_start3A_555 : memref<1x8x8x128xf32, #tpu.memory_space<vmem>> -> memref<8x8x128xf32, #tpu.memory_space<vmem>>
      tpu.enqueue_dma source(%dma_start3A_556 : memref<8x8x128xf32, #tpu.memory_space<vmem>>) target(%dma_start3A_551 : memref<8x8x128xf32, #tpu.memory_space<hbm>>) target_semaphore(%arg12 : memref<!tpu.dma_semaphore, #tpu.memory_space<semaphore_mem>>)
    }
    %scan3A_453 = arith.constant 200 : i32
    %dma_wait3A = arith.constant 0 : i32
    %dma_wait3A_454 = arith.constant 0 : i32
    %dma_wait3A_455 = arith.constant 0 : i32
    %dma_wait3A_456 = arith.constant 0 : i32
    %dma_wait3A_457 = arith.constant 0 : i32
    %dma_wait3A_458 = tpu.memref_slice %arg9[%dma_wait3A, %dma_wait3A_455, %dma_wait3A_456, %dma_wait3A_457] : memref<2x8x8x129xf32, #tpu.memory_space<vmem>> -> memref<1x8x8x128xf32, #tpu.memory_space<vmem>>
    %dma_wait3A_459 = tpu.memref_squeeze %dma_wait3A_458 : memref<1x8x8x128xf32, #tpu.memory_space<vmem>> -> memref<8x8x128xf32, #tpu.memory_space<vmem>>
    %dma_wait3A_460 = arith.constant 0 : i32
    %dma_wait3A_461 = arith.constant 0 : i32
    %dma_wait3A_462 = arith.constant 0 : i32
    %dma_wait3A_463 = tpu.memref_slice %arg5[%dma_wait3A_454, %dma_wait3A_460, %add3A, %dma_wait3A_461, %dma_wait3A_462] : memref<200x8x32x8x128xf32, #tpu.memory_space<hbm>> -> memref<1x8x1x8x128xf32, #tpu.memory_space<hbm>>
    %dma_wait3A_464 = tpu.memref_squeeze %dma_wait3A_463 : memref<1x8x1x8x128xf32, #tpu.memory_space<hbm>> -> memref<8x8x128xf32, #tpu.memory_space<hbm>>
    %dma_wait3A_465 = arith.constant 0 : i32
    %dma_wait3A_466 = arith.constant 0 : i32
    %dma_wait3A_467 = arith.constant 0 : i32
    %dma_wait3A_468 = tpu.memref_slice %arg5[%dma_wait3A_454, %dma_wait3A_465, %add3A, %dma_wait3A_466, %dma_wait3A_467] : memref<200x8x32x8x128xf32, #tpu.memory_space<hbm>> -> memref<1x8x1x8x128xf32, #tpu.memory_space<hbm>>
    %dma_wait3A_469 = tpu.memref_squeeze %dma_wait3A_468 : memref<1x8x1x8x128xf32, #tpu.memory_space<hbm>> -> memref<8x8x128xf32, #tpu.memory_space<hbm>>
    %dma_wait3A_470 = arith.constant 0 : i32
    %dma_wait3A_471 = arith.constant 0 : i32
    %dma_wait3A_472 = arith.constant 0 : i32
    %dma_wait3A_473 = tpu.memref_slice %arg9[%dma_wait3A, %dma_wait3A_470, %dma_wait3A_471, %dma_wait3A_472] : memref<2x8x8x129xf32, #tpu.memory_space<vmem>> -> memref<1x8x8x128xf32, #tpu.memory_space<vmem>>
    %dma_wait3A_474 = tpu.memref_squeeze %dma_wait3A_473 : memref<1x8x8x128xf32, #tpu.memory_space<vmem>> -> memref<8x8x128xf32, #tpu.memory_space<vmem>>
    tpu.wait_dma2 semaphore(%arg12 : memref<!tpu.dma_semaphore, #tpu.memory_space<semaphore_mem>>) src(%dma_wait3A_474 : memref<8x8x128xf32, #tpu.memory_space<vmem>>) dst(%dma_wait3A_469 : memref<8x8x128xf32, #tpu.memory_space<hbm>>)
    %dma_wait3A_475 = arith.constant 0 : i32
    %dma_wait3A_476 = arith.constant 0 : i32
    %dma_wait3A_477 = arith.constant 0 : i32
    %dma_wait3A_478 = arith.constant 0 : i32
    %dma_wait3A_479 = arith.constant 0 : i32
    %dma_wait3A_480 = tpu.memref_slice %arg9[%dma_wait3A_475, %dma_wait3A_477, %dma_wait3A_478, %dma_wait3A_479] : memref<2x8x8x129xf32, #tpu.memory_space<vmem>> -> memref<1x8x8x128xf32, #tpu.memory_space<vmem>>
    %dma_wait3A_481 = tpu.memref_squeeze %dma_wait3A_480 : memref<1x8x8x128xf32, #tpu.memory_space<vmem>> -> memref<8x8x128xf32, #tpu.memory_space<vmem>>
    %dma_wait3A_482 = arith.constant 0 : i32
    %dma_wait3A_483 = arith.constant 0 : i32
    %dma_wait3A_484 = arith.constant 0 : i32
    %dma_wait3A_485 = tpu.memref_slice %arg5[%dma_wait3A_476, %dma_wait3A_482, %add3A, %dma_wait3A_483, %dma_wait3A_484] : memref<200x8x32x8x128xf32, #tpu.memory_space<hbm>> -> memref<1x8x1x8x128xf32, #tpu.memory_space<hbm>>
    %dma_wait3A_486 = tpu.memref_squeeze %dma_wait3A_485 : memref<1x8x1x8x128xf32, #tpu.memory_space<hbm>> -> memref<8x8x128xf32, #tpu.memory_space<hbm>>
    %dma_wait3A_487 = arith.constant 0 : i32
    %dma_wait3A_488 = arith.constant 0 : i32
    %dma_wait3A_489 = arith.constant 0 : i32
    %dma_wait3A_490 = tpu.memref_slice %arg5[%dma_wait3A_476, %dma_wait3A_487, %add3A, %dma_wait3A_488, %dma_wait3A_489] : memref<200x8x32x8x128xf32, #tpu.memory_space<hbm>> -> memref<1x8x1x8x128xf32, #tpu.memory_space<hbm>>
    %dma_wait3A_491 = tpu.memref_squeeze %dma_wait3A_490 : memref<1x8x1x8x128xf32, #tpu.memory_space<hbm>> -> memref<8x8x128xf32, #tpu.memory_space<hbm>>
    %dma_wait3A_492 = arith.constant 0 : i32
    %dma_wait3A_493 = arith.constant 0 : i32
    %dma_wait3A_494 = arith.constant 0 : i32
    %dma_wait3A_495 = tpu.memref_slice %arg9[%dma_wait3A_475, %dma_wait3A_492, %dma_wait3A_493, %dma_wait3A_494] : memref<2x8x8x129xf32, #tpu.memory_space<vmem>> -> memref<1x8x8x128xf32, #tpu.memory_space<vmem>>
    %dma_wait3A_496 = tpu.memref_squeeze %dma_wait3A_495 : memref<1x8x8x128xf32, #tpu.memory_space<vmem>> -> memref<8x8x128xf32, #tpu.memory_space<vmem>>
    tpu.wait_dma2 semaphore(%arg12 : memref<!tpu.dma_semaphore, #tpu.memory_space<semaphore_mem>>) src(%dma_wait3A_496 : memref<8x8x128xf32, #tpu.memory_space<vmem>>) dst(%dma_wait3A_491 : memref<8x8x128xf32, #tpu.memory_space<hbm>>)
    return
  }
}

module attributes {stable_mosaic.version = 14 : i64} {
  func.func @_tr_body(%arg0: i32, %arg1: memref<64x16384xf32, #tpu.memory_space<vmem>>, %arg2: memref<64x64xf32, #tpu.memory_space<vmem>>, %arg3: memref<8192x128xf32, #tpu.memory_space<vmem>>) attributes {dimension_semantics = [#tpu.dimension_semantics<arbitrary>], iteration_bounds = array<i64: 62>, scalar_prefetch = 0 : i64, scratch_operands = 0 : i64, tpu.core_type = #tpu.core_type<tc>, window_params = [{transform_indices = @transform_0, window_bounds = array<i64: 64, 16384>}, {pipeline_mode = #tpu.pipeline_mode<synchronous>, transform_indices = @transform_1, window_bounds = array<i64: 64, 64>}, {transform_indices = @transform_2, window_bounds = array<i64: 8192, 128>}]} {
    %get3A = arith.constant 0 : index
    %get3A_0 = arith.constant 0 : index
    %get3A_1 = vector.load %arg2[%get3A, %get3A_0] : memref<64x64xf32, #tpu.memory_space<vmem>>, vector<64x64xf32>
    %get3A_2 = arith.constant 0 : index
    %get3A_3 = arith.constant 0 : index
    %get3A_4 = vector.load %arg1[%get3A_2, %get3A_3] : memref<64x16384xf32, #tpu.memory_space<vmem>>, vector<64x2048xf32>
    %dot_general3A = arith.constant dense<0.000000e+00> : vector<2048x64xf32>
    %dot_general3A_5 = tpu.matmul %get3A_4, %get3A_1, %dot_general3A {dimension_numbers = #tpu.dot_dimension_numbers<[0], [0], [1], [1], [0, 1, 1, 1], [], []>, transpose_lhs_hint = false} : vector<64x2048xf32>, vector<64x64xf32>, vector<2048x64xf32> -> vector<2048x64xf32>
    %swap3A = arith.constant 0 : index
    %swap3A_6 = arith.constant 0 : index
    %swap3A_7 = vector.load %arg3[%swap3A, %swap3A_6] : memref<8192x128xf32, #tpu.memory_space<vmem>>, vector<2048x64xf32>
    tpu.vector_store %arg3[%swap3A, %swap3A_6], %dot_general3A_5 {strides = array<i32>} : memref<8192x128xf32, #tpu.memory_space<vmem>>, vector<2048x64xf32>,
    %get3A_8 = arith.constant 0 : index
    %get3A_9 = arith.constant 2048 : index
    %get3A_10 = vector.load %arg1[%get3A_8, %get3A_9] : memref<64x16384xf32, #tpu.memory_space<vmem>>, vector<64x2048xf32>
    %dot_general3A_11 = arith.constant dense<0.000000e+00> : vector<2048x64xf32>
    %dot_general3A_12 = tpu.matmul %get3A_10, %get3A_1, %dot_general3A_11 {dimension_numbers = #tpu.dot_dimension_numbers<[0], [0], [1], [1], [0, 1, 1, 1], [], []>, transpose_lhs_hint = false} : vector<64x2048xf32>, vector<64x64xf32>, vector<2048x64xf32> -> vector<2048x64xf32>
    %swap3A_13 = arith.constant 2048 : index
    %swap3A_14 = arith.constant 0 : index
    %swap3A_15 = vector.load %arg3[%swap3A_13, %swap3A_14] : memref<8192x128xf32, #tpu.memory_space<vmem>>, vector<2048x64xf32>
    tpu.vector_store %arg3[%swap3A_13, %swap3A_14], %dot_general3A_12 {strides = array<i32>} : memref<8192x128xf32, #tpu.memory_space<vmem>>, vector<2048x64xf32>,
    %get3A_16 = arith.constant 0 : index
    %get3A_17 = arith.constant 4096 : index
    %get3A_18 = vector.load %arg1[%get3A_16, %get3A_17] : memref<64x16384xf32, #tpu.memory_space<vmem>>, vector<64x2048xf32>
    %dot_general3A_19 = arith.constant dense<0.000000e+00> : vector<2048x64xf32>
    %dot_general3A_20 = tpu.matmul %get3A_18, %get3A_1, %dot_general3A_19 {dimension_numbers = #tpu.dot_dimension_numbers<[0], [0], [1], [1], [0, 1, 1, 1], [], []>, transpose_lhs_hint = false} : vector<64x2048xf32>, vector<64x64xf32>, vector<2048x64xf32> -> vector<2048x64xf32>
    %swap3A_21 = arith.constant 4096 : index
    %swap3A_22 = arith.constant 0 : index
    %swap3A_23 = vector.load %arg3[%swap3A_21, %swap3A_22] : memref<8192x128xf32, #tpu.memory_space<vmem>>, vector<2048x64xf32>
    tpu.vector_store %arg3[%swap3A_21, %swap3A_22], %dot_general3A_20 {strides = array<i32>} : memref<8192x128xf32, #tpu.memory_space<vmem>>, vector<2048x64xf32>,
    %get3A_24 = arith.constant 0 : index
    %get3A_25 = arith.constant 6144 : index
    %get3A_26 = vector.load %arg1[%get3A_24, %get3A_25] : memref<64x16384xf32, #tpu.memory_space<vmem>>, vector<64x2048xf32>
    %dot_general3A_27 = arith.constant dense<0.000000e+00> : vector<2048x64xf32>
    %dot_general3A_28 = tpu.matmul %get3A_26, %get3A_1, %dot_general3A_27 {dimension_numbers = #tpu.dot_dimension_numbers<[0], [0], [1], [1], [0, 1, 1, 1], [], []>, transpose_lhs_hint = false} : vector<64x2048xf32>, vector<64x64xf32>, vector<2048x64xf32> -> vector<2048x64xf32>
    %swap3A_29 = arith.constant 6144 : index
    %swap3A_30 = arith.constant 0 : index
    %swap3A_31 = vector.load %arg3[%swap3A_29, %swap3A_30] : memref<8192x128xf32, #tpu.memory_space<vmem>>, vector<2048x64xf32>
    tpu.vector_store %arg3[%swap3A_29, %swap3A_30], %dot_general3A_28 {strides = array<i32>} : memref<8192x128xf32, #tpu.memory_space<vmem>>, vector<2048x64xf32>,
    %get3A_32 = arith.constant 0 : index
    %get3A_33 = arith.constant 8192 : index
    %get3A_34 = vector.load %arg1[%get3A_32, %get3A_33] : memref<64x16384xf32, #tpu.memory_space<vmem>>, vector<64x2048xf32>
    %dot_general3A_35 = arith.constant dense<0.000000e+00> : vector<2048x64xf32>
    %dot_general3A_36 = tpu.matmul %get3A_34, %get3A_1, %dot_general3A_35 {dimension_numbers = #tpu.dot_dimension_numbers<[0], [0], [1], [1], [0, 1, 1, 1], [], []>, transpose_lhs_hint = false} : vector<64x2048xf32>, vector<64x64xf32>, vector<2048x64xf32> -> vector<2048x64xf32>
    %swap3A_37 = arith.constant 0 : index
    %swap3A_38 = arith.constant 64 : index
    %swap3A_39 = vector.load %arg3[%swap3A_37, %swap3A_38] : memref<8192x128xf32, #tpu.memory_space<vmem>>, vector<2048x64xf32>
    tpu.vector_store %arg3[%swap3A_37, %swap3A_38], %dot_general3A_36 {strides = array<i32>} : memref<8192x128xf32, #tpu.memory_space<vmem>>, vector<2048x64xf32>,
    %get3A_40 = arith.constant 0 : index
    %get3A_41 = arith.constant 10240 : index
    %get3A_42 = vector.load %arg1[%get3A_40, %get3A_41] : memref<64x16384xf32, #tpu.memory_space<vmem>>, vector<64x2048xf32>
    %dot_general3A_43 = arith.constant dense<0.000000e+00> : vector<2048x64xf32>
    %dot_general3A_44 = tpu.matmul %get3A_42, %get3A_1, %dot_general3A_43 {dimension_numbers = #tpu.dot_dimension_numbers<[0], [0], [1], [1], [0, 1, 1, 1], [], []>, transpose_lhs_hint = false} : vector<64x2048xf32>, vector<64x64xf32>, vector<2048x64xf32> -> vector<2048x64xf32>
    %swap3A_45 = arith.constant 2048 : index
    %swap3A_46 = arith.constant 64 : index
    %swap3A_47 = vector.load %arg3[%swap3A_45, %swap3A_46] : memref<8192x128xf32, #tpu.memory_space<vmem>>, vector<2048x64xf32>
    tpu.vector_store %arg3[%swap3A_45, %swap3A_46], %dot_general3A_44 {strides = array<i32>} : memref<8192x128xf32, #tpu.memory_space<vmem>>, vector<2048x64xf32>,
    %get3A_48 = arith.constant 0 : index
    %get3A_49 = arith.constant 12288 : index
    %get3A_50 = vector.load %arg1[%get3A_48, %get3A_49] : memref<64x16384xf32, #tpu.memory_space<vmem>>, vector<64x2048xf32>
    %dot_general3A_51 = arith.constant dense<0.000000e+00> : vector<2048x64xf32>
    %dot_general3A_52 = tpu.matmul %get3A_50, %get3A_1, %dot_general3A_51 {dimension_numbers = #tpu.dot_dimension_numbers<[0], [0], [1], [1], [0, 1, 1, 1], [], []>, transpose_lhs_hint = false} : vector<64x2048xf32>, vector<64x64xf32>, vector<2048x64xf32> -> vector<2048x64xf32>
    %swap3A_53 = arith.constant 4096 : index
    %swap3A_54 = arith.constant 64 : index
    %swap3A_55 = vector.load %arg3[%swap3A_53, %swap3A_54] : memref<8192x128xf32, #tpu.memory_space<vmem>>, vector<2048x64xf32>
    tpu.vector_store %arg3[%swap3A_53, %swap3A_54], %dot_general3A_52 {strides = array<i32>} : memref<8192x128xf32, #tpu.memory_space<vmem>>, vector<2048x64xf32>,
    %get3A_56 = arith.constant 0 : index
    %get3A_57 = arith.constant 14336 : index
    %get3A_58 = vector.load %arg1[%get3A_56, %get3A_57] : memref<64x16384xf32, #tpu.memory_space<vmem>>, vector<64x2048xf32>
    %dot_general3A_59 = arith.constant dense<0.000000e+00> : vector<2048x64xf32>
    %dot_general3A_60 = tpu.matmul %get3A_58, %get3A_1, %dot_general3A_59 {dimension_numbers = #tpu.dot_dimension_numbers<[0], [0], [1], [1], [0, 1, 1, 1], [], []>, transpose_lhs_hint = false} : vector<64x2048xf32>, vector<64x64xf32>, vector<2048x64xf32> -> vector<2048x64xf32>
    %swap3A_61 = arith.constant 6144 : index
    %swap3A_62 = arith.constant 64 : index
    %swap3A_63 = vector.load %arg3[%swap3A_61, %swap3A_62] : memref<8192x128xf32, #tpu.memory_space<vmem>>, vector<2048x64xf32>
    tpu.vector_store %arg3[%swap3A_61, %swap3A_62], %dot_general3A_60 {strides = array<i32>} : memref<8192x128xf32, #tpu.memory_space<vmem>>, vector<2048x64xf32>,
    return
  }
  func.func @transform_0(%arg0: i32) -> (i32, i32) {
    %c0_i32 = arith.constant 0 : i32
    %c0_i32_0 = arith.constant 0 : i32
    return %c0_i32, %arg0 : i32, i32
  }
  func.func @transform_1(%arg0: i32) -> (i32, i32) {
    %c0_i32 = arith.constant 0 : i32
    %c0_i32_0 = arith.constant 0 : i32
    %c0_i32_1 = arith.constant 0 : i32
    return %c0_i32, %c0_i32_0 : i32, i32
  }
  func.func @transform_2(%arg0: i32) -> (i32, i32) {
    %c0_i32 = arith.constant 0 : i32
    %c0_i32_0 = arith.constant 0 : i32
    return %arg0, %c0_i32 : i32, i32
  }
}

</mosaic_0001>

<sc_bundles>
// kernel: kernel.4.cloned.1.call-start
scs
__scs_entry_jumppad:
0x0: {  	(pc) =	sbr.rel $0x88, $3  }
0x1: {  	(tag) =	ssettag $0x0;
	lr =	simm.s32 $0x1  }
0x2: {  	[smem:$0x3F9F] =	sst lr;
	_ =	strace $0xD0000000  }
0x3: {  	_ = 	snop  }
0x4: {  	_ = 	snop  }
0x5: {  	_ = 	snop  }
0x6: {  	_ = 	snop  }
0x7: {  	_ = 	snop  }
__scs_overlays_trampoline_lowered:
0x8: {  	[smem:$0x3FAE] =	sst s0  }
0x9: {  	[smem:$0x3FAF] =	sst s1  }
0xa: {  	[smem:$0x3FB0] =	sst s2  }
0xb: {  	[smem:$0x3FB1] =	sst s3  }
0xc: {  	[smem:$0x3FB2] =	sst s4  }
0xd: {  	[smem:$0x3FB3] =	sst s5  }
0xe: {  	[smem:$0x3FB4] =	sst s6  }
0xf: {  	[smem:$0x3FB5] =	sst s7  }
0x10: {  	[smem:$0x3FB6] =	sst s8  }
0x11: {  	[smem:$0x3FB7] =	sst s9;
	s0 =	simm.s32 @!p0 $0x0  }
0x12: {  	s1 =	sld [smem:$0x3F9D];
	s0 =	simm.s32 @p0 $0x1  }
0x13: {  	[smem:$0x3FB8] =	sst s0;
	s0 =	simm.s32 @!p1 $0x0  }
0x14: {  	s2 =	sld [smem:$0x3F9C];
	s0 =	simm.s32 @p1 $0x1  }
0x15: {  	[smem:$0x3FB9] =	sst s0;
	s0 =	simm.s32 @!p2 $0x0  }
0x16: {  	s3 =	sld [smem:$0x3FDB];
	s0 =	simm.s32 @p2 $0x1  }
0x17: {  	s4 =	simm.s32 $0x1BF5;
	[smem:$0x3FBB] =	sst s0  }
0x18: {  	s0 =	sld [smem:$0x3F9E];
	_ =	swait.ge [sflag:s4], $0x0  }
0x19: {  	s7 =	sld [smem:$0x3F9F]  }
0x1a: {  	s8 =	sadd.s32 $0xFFFFE003, lr  }
0x1b: {  	s9 =	sadd.s32 $0xFFFFFEF7, lr;
	s5 =	simm.s32 $0xFFFFFFFF;
	p2 =	slt.u32 s8, $0xFFFFF086  }
0x1c: {  	p1 =	slt.u32 s9, $0xF7A;
	s5 =	simm.s32 @!p2 $0x0  }
0x1d: {  	s5 =	simm.s32 @p1 $0x1;
	p0 =	seq.s32 s7, s2  }
0x1e: {  	s7 =	smul.u32 @!p0 $0xF7A, s2;
	p2 =	seq.s32 @!p0 s5, $0x0  }
0x1f: {  	s9 =	smul.u32 $0xF7A, s1;
	s8 =	simm.s32 @!p0 $0x1BF5;
	p2 =	por !p2, p0  }
0x20: {  	[sflag:s8] =	ssyncset.s32 @!p0 $0xFFFFF086;
	s6 =	sadd.s32 @!p0 s3, s7;
	s7 =	simm.s32 @!p0 $0x108  }
0x21: {  	s3 =	sadd.s32 s3, s9;
	s6 =	sadd.s32 @!p0 $0x88, s6;
	s7 =	simm.s32 @p2 $0x1082  }
0x22: {  	[simem:s7], [sflag:s8] =	dma.local @!p0 [hbm:s6], $0xF7A  }
0x23: {  	s9 =	sor.u32 $0xD0000000, s2;
	s6 =	simm.s32 $0x108;
	_ =	swait.ge @!p0 [sflag:s8], $0x0  }
0x24: {  	s3 =	sadd.s32 $0x88, s3;
	s6 =	simm.s32 @!p1 $0x1082;
	[sflag:s4] =	ssyncset.s32 $0xFFFFF086  }
0x25: {  	[simem:s6], [sflag:s4] =	dma.local [hbm:s3], $0xF7A  }
0x26: {  	[smem:$0x3F9F] =	sst s1;
	(tag) =	ssettag s2;
	_ =	strace s9  }
0x27: {  	s1 =	sld [smem:$0x3FAF]  }
0x28: {  	s2 =	sld [smem:$0x3FB0]  }
0x29: {  	s4 =	sld [smem:$0x3FB2]  }
0x2a: {  	p0 =	seq.s32 s5, $0x0;
	s5 =	sld [smem:$0x3FB3]  }
0x2b: {  	s6 =	sld [smem:$0x3FB4]  }
0x2c: {  	s7 =	sld [smem:$0x3FB5]  }
0x2d: {  	s3 =	simm.s32 $0x108;
	s8 =	sld [smem:$0x3FB6]  }
0x2e: {  	s3 =	simm.s32 @!p0 $0x1082;
	s9 =	sld [smem:$0x3FB7]  }
0x2f: {  	lr =	sadd.s32 s0, s3;
	s0 =	sld [smem:$0x3FAE]  }
0x30: {  	s3 =	sld [smem:$0x3FB1]  }
0x31: {  	[smem:$0x3FBA] =	sst s10  }
0x32: {  	s10 =	sld [smem:$0x3FB8];
	_ =	sdelay $0x3  }
0x33: {  	p0 =	seq.s32 s10, $0x1;
	s10 =	sld [smem:$0x3FBA];
	_ =	sdelay $0x3  }
0x34: {  	[smem:$0x3FBA] =	sst s10  }
0x35: {  	s10 =	sld [smem:$0x3FB9];
	_ =	sdelay $0x3  }
0x36: {  	p1 =	seq.s32 s10, $0x1;
	s10 =	sld [smem:$0x3FBA];
	_ =	sdelay $0x3  }
0x37: {  	[smem:$0x3FBA] =	sst s10  }
0x38: {  	s10 =	sld [smem:$0x3FBB]  }
0x39: {  	_ = 	snop;
	(pc) =	sbr.ind lr, $3  }
0x3a: {  	_ = 	snop  }
0x3b: {  	_ = 	snop  }
0x3c: {  	p2 =	seq.s32 s10, $0x1;
	s10 =	sld [smem:$0x3FBA]  }
0x3d: {  	_ =	shalt  }
0x3e: {  	_ =	shalt  }
0x3f: {  	_ =	shalt  }
0x40: {  	_ =	shalt  }
0x41: {  	_ =	shalt  }
0x42: {  	_ =	shalt  }
0x43: {  	_ =	shalt  }
0x44: {  	_ =	shalt  }
0x45: {  	_ =	shalt  }
0x46: {  	_ =	shalt  }
0x47: {  	_ =	shalt  }
0x48: {  	_ =	shalt  }
0x49: {  	_ =	shalt  }
0x4a: {  	_ =	shalt  }
0x4b: {  	_ =	shalt  }
0x4c: {  	_ =	shalt  }
0x4d: {  	_ =	shalt  }
0x4e: {  	_ =	shalt  }
0x4f: {  	_ =	shalt  }
0x50: {  	_ =	shalt  }
0x51: {  	_ =	shalt  }
0x52: {  	_ =	shalt  }
0x53: {  	_ =	shalt  }
0x54: {  	_ =	shalt  }
0x55: {  	_ =	shalt  }
0x56: {  	_ =	shalt  }
0x57: {  	_ =	shalt  }
0x58: {  	_ =	shalt  }
0x59: {  	_ =	shalt  }
0x5a: {  	_ =	shalt  }
0x5b: {  	_ =	shalt  }
0x5c: {  	_ =	shalt  }
0x5d: {  	_ =	shalt  }
0x5e: {  	_ =	shalt  }
0x5f: {  	_ =	shalt  }
0x60: {  	_ =	shalt  }
0x61: {  	_ =	shalt  }
0x62: {  	_ =	shalt  }
0x63: {  	_ =	shalt  }
0x64: {  	_ =	shalt  }
0x65: {  	_ =	shalt  }
0x66: {  	_ =	shalt  }
0x67: {  	_ =	shalt  }
0x68: {  	_ =	shalt  }
0x69: {  	_ =	shalt  }
0x6a: {  	_ =	shalt  }
0x6b: {  	_ =	shalt  }
0x6c: {  	_ =	shalt  }
0x6d: {  	_ =	shalt  }
0x6e: {  	_ =	shalt  }
0x6f: {  	_ =	shalt  }
0x70: {  	_ =	shalt  }
0x71: {  	_ =	shalt  }
0x72: {  	_ =	shalt  }
0x73: {  	_ =	shalt  }
0x74: {  	_ =	shalt  }
0x75: {  	_ =	shalt  }
0x76: {  	_ =	shalt  }
0x77: {  	_ =	shalt  }
0x78: {  	_ =	shalt  }
0x79: {  	_ =	shalt  }
0x7a: {  	_ =	shalt  }
0x7b: {  	_ =	shalt  }
0x7c: {  	_ =	shalt  }
0x7d: {  	_ =	shalt  }
0x7e: {  	_ =	shalt  }
0x7f: {  	_ =	shalt  }
0x80: {  	_ =	shalt  }
0x81: {  	_ =	shalt  }
0x82: {  	_ =	shalt  }
0x83: {  	_ =	shalt  }
0x84: {  	_ =	shalt  }
0x85: {  	_ =	shalt  }
0x86: {  	_ =	shalt  }
0x87: {  	_ =	shalt  }
.Lfunc_end0:
.L_simem_size_0:
called_computation_lowered:
.L_overlay_start_0:
0x88: {  	s2 =	sld [smem:$0x3FD9]  }
0x89: {  	s3 =	sld [smem:$0x3FFE];
	_ =	sdelay $0x1  }
0x8a: {  	s1 =	srdreg.scid  }
0x8b: {  	s0 =	sand.u32 $0x1, s1  }
0x8c: {  	s17 =	sshll.u32 s0, $0xA;
	s2 =	sadd.s32 s3, s2  }
0x8d: {  	s2 =	sadd.s32 s2, s17  }
0x8e: {  	[smem:$0x3FC6] =	sst s2  }
0x8f: {  	_ = 	snop  }
0x90: {  	s2 =	sld [smem:$0x3FD0];
	(tm) =	ssettm $0x1  }
0x91: {  	s18 =	sld [smem:$0x3FFB];
	_ =	sdelay $0x3  }
0x92: {  	_ =	strace s18  }
0x93: {  	s3 =	sld [smem:$0x3FFC];
	_ =	sdelay $0x3  }
0x94: {  	_ =	strace s3  }
0x95: {  	s3 =	sld [smem:$0x3FFD];
	_ =	sdelay $0x3  }
0x96: {  	_ =	strace s3  }
0x97: {  	_ =	strace $0x8FFFFFFF  }
0x98: {  	s19 =	sld [smem:$0x3FDB];
	_ =	sdelay $0x1  }
0x99: {  	s4 =	simm.s32 $_scs_section_size  }
0x9a: {  	s5 =	simm.s32 $_size__tile_overlayer_lowered;
	s6 =	simm.s32 $_tile_overlayer_lowered  }
0x9b: {  	s22 =	simm.s32 $0x1BFF;
	s21 =	sshll.u32 s6, $0x1;
	s3 =	sadd.s32 s4, s19  }
0x9c: {  	s7 =	simm.s32 $0x0;
	s20 =	sshll.u32 s5, $0x1;
	s5 =	sadd.s32 s21, s3  }
0x9d: {  	[timem:s7], [sflag:s22] =	dma.local [hbm:s5], s20  }
0x9e: {  	_ =	swait.ge [sflag:s22], s20  }
0x9f: {  	s4 =	ssub.s32 $0x0, s20;
	[sflag:s22] =	ssyncset.done $0x0  }
0xa0: {  	[sflag:s22] =	ssyncadd.s32 s4;
	_ =	sdelay $0x1  }
0xa1: {  	s23 =	simm.s32 $0x1B8B  }
0xa2: {  	_ =	swait.ge [sflag:s23], $0x1  }
0xa3: {  	[sflag:s23] =	ssyncset.done $0x0  }
0xa4: {  	s25 =	simm.s32 $0x1B8E;
	s24 =	sld [smem:$0x3FFE];
	[sflag:s23] =	ssyncadd.s32 $0xFFFFFFFF  }
0xa5: {  	s26 =	simm.s32 $execute0_lowered;
	[smem:$0x3FD2] =	sst s25  }
0xa6: {  	s5 =	sshll.u32 s26, $0x1;
	_ =	strace $0x80000046;
	[dreg:$0x1] =	wrdreg $0xFFFFFFFF  }
0xa7: {  	s28 =	simm.s32 $_size_execute0_lowered;
	s3 =	sadd.s32 s3, s5;
	[dreg:$0x0] =	wrdreg $0x0  }
0xa8: {  	s5 =	sshll.u32 s28, $0x1;
	[dreg:$0x2] =	wrdreg s3  }
0xa9: {  	[dreg:$0x3] =	wrdreg s5  }
0xaa: {  	[dreg:$0x4] =	wrdreg $0xC0  }
0xab: {  	_ =	task [dreg:s7], $0x5FFFF  }
0xac: {  	[dreg:$0x1] =	wrdreg $0xFFFFFFFF  }
0xad: {  	[dreg:$0x0] =	wrdreg $0x60  }
0xae: {  	[dreg:$0x2] =	wrdreg s24  }
0xaf: {  	[dreg:$0x3] =	wrdreg s2  }
0xb0: {  	[dreg:$0x4] =	wrdreg $0x9  }
0xb1: {  	_ =	task.clear_ibuf [dreg:s7], $0x5FFFF;
	_ =	strace $0x90000046  }
0xb2: {  	s29 =	simm.s32 $0x9;
	_ =	strace $0x80000048  }
0xb3: {  	_ =	swait.ge [sflag:s29], $0x1  }
0xb4: {  	[sflag:s29] =	ssyncadd.s32 $0xFFFFFFFF  }
0xb5: {  	_ =	strace $0x90000048  }
0xb6: {  	_ =	sfence  }
0xb7: {  	s30 =	sld [smem:$0x0];
	_ =	sdelay $0x2  }
0xb8: {  	s31 =	sshll.u32 s1, $0xD;
	s1 =	sshrl.u32 s1, $0x2  }
0xb9: {  	s3 =	sand.u32 $0x4000, s31;
	s1 =	sadd.s32 s1, s30  }
0xba: {  	s0 =	sor.u32 s3, s0;
	s1 =	sshll.u32 s1, $0x11  }
0xbb: {  	s0 =	sor.u32 s1, s0  }
0xbc: {  	s0 =	sadd.s32 $0x8F2B, s0  }
0xbd: {  	[sflag:s0] =	ssyncadd.remote.s32 $0x1  }
0xbe: {  	_ =	sfence.sel $0xFFFF  }
0xbf: {  	[dreg:$0x0] =	wrdreg $0xFFFFFFFF;
	(pc) =	sbr.abs _section_cstart, $3  }
0xc0: {  	[dreg:$0x1] =	wrdreg $0xFFFFFFFF  }
0xc1: {  	_ =	task.clear_ibuf [dreg:s7], $0x2FFFF;
	_ =	strace $0x9FFFFFFF  }
0xc2: {  	(tm) =	ssettm $0x7FFFFFFF  }
0xc3: {  	_ =	shalt  }
tec
execute0_lowered:
.L_overlay_start_1:
0x0: {  	(tag) =	ssettag $0x1  }
0x1: {  	s4 =	rddreg [dreg:$0x0]  }
0x2: {  	s6 =	rddreg [dreg:$0x1]  }
0x3: {  	s0 =	rddreg [dreg:$0x2];
	s3 =	srdreg.scid  }
0x4: {  	s1 =	stileid.u32;
	s2 =	simm.s32 $0x0;
	s10 =	simm.s32 $0x80  }
0x5: {  	s11 =	simm.s32 $0x1000;
	s12 =	simm.s32 $0x6400;
	s13 =	simm.s32 $0x6500  }
0x6: {  	s14 =	simm.s32 $0x1;
	s15 =	simm.s32 $0x2;
	s16 =	simm.s32 $0x0  }
0x7: {  	s3 =	sand.u32 $0x1, s3;
	s5 =	sshll.u32 s1, $0x1;
	[smem:$0x7FF] =	sst s2  }
0x8: {  	s5 =	sor.u32 s3, s5;
	_ =	strace $0x80000047;
	s8 =	ssub.s32 $0x2, s3  }
0x9: {  	v0 =	vlaneseq.u32;
	s3 =	sadd.s32 $0x19C00, s4;
	s7 =	sshll.u32 s5, $0x4;
	s9 =	sshrl.u32 s8, $0x1  }
0xa: {  	v0 =	vmul.u32 $0x88, v0;
	s31 =	sshll.u32 s5, $0x7;
	s7 =	sadd.s32 s7, s4;
	s4 =	sadd.s32 $0x400, s4  }
0xb: {  	s8 =	ssub.s32 s8, s9;
	s6 =	sadd.s32 s6, s31;
	s9 =	simm.s32 $0x3  }
0xc: {  	v1 =	vadd.s32 $0x880, v0;
	v2 =	vadd.s32 $0x1100, v0;
	v3 =	vadd.s32 $0x1980, v0;
	s5 =	sadd.s32 $0xC00, s7;
	s7 =	smax.u32 s8, $0x1;
	s8 =	simm.s32 $0xE900  }
.LBB2_1:
0xd: {  	[tilespmem:s8], [sflag:$0x3] =	stream.linear.gather [hbm4b:s4+s2], $0x3200, $0x38;
	[tilespmem:$0x11B00] =	vst v63  }
0xe: {  	_ =	swait.ge [sflag:s9], $0x3200  }
0xf: {  	[sflag:s9] =	ssyncset.done $0x0  }
0x10: {  	[sflag:s9] =	ssyncadd.s32 $0xFFFFCE00  }
0x11: {  	[tilespmem:s2], [sflag:$0x3] =	stream.strided.gather [hbm4b:s5+s10], $0x6400, s11, s10, $0x38;
	[tilespmem:$0x11B00] =	vst v63  }
0x12: {  	_ =	swait.ge [sflag:s9], $0x6400  }
0x13: {  	[sflag:s9] =	ssyncset.done $0x0  }
0x14: {  	[sflag:s9] =	ssyncadd.s32 $0xFFFF9C00  }
0x15: {  	v4 =	vld [tilespmem:$0x0]  }
0x16: {  	v5 =	vld [tilespmem:$0x10]  }
0x17: {  	v6 =	vld [tilespmem:$0x20]  }
0x18: {  	v9 =	vld [tilespmem:$0x30]  }
0x19: {  	v10 =	vld [tilespmem:$0x40]  }
0x1a: {  	v48 =	vld [tilespmem:$0x50];
	v7 =	vshll.u32 v4, $0x1  }
0x1b: {  	v12 =	vld [tilespmem:$0x60];
	v8 =	vand.u32 $0xFFFFC000, v4;
	v4 =	vshrl.u32 v4, $0xD;
	v45 =	vshll.u32 v5, $0x1  }
0x1c: {  	v13 =	vld [tilespmem:$0x70];
	v46 =	vand.u32 $0xFFFFC000, v5;
	v5 =	vshrl.u32 v5, $0xD;
	v47 =	vshll.u32 v6, $0x1  }
0x1d: {  	v11 =	vand.u32 $0xFFFFC000, v6;
	v6 =	vshrl.u32 v6, $0xD;
	v49 =	vshll.u32 v9, $0x1  }
0x1e: {  	v50 =	vand.u32 $0xFFFFC000, v9;
	v9 =	vshrl.u32 v9, $0xD;
	v52 =	vshll.u32 v10, $0x1  }
0x1f: {  	v53 =	vand.u32 $0xFFFFC000, v10;
	v54 =	vshrl.u32 v10, $0xD;
	v55 =	vshll.u32 v48, $0x1  }
0x20: {  	v14 =	vand.u32 $0xFFFFC000, v48;
	v57 =	vshll.u32 v12, $0x1;
	v58 =	vand.u32 $0xFFFFC000, v12  }
0x21: {  	v59 =	vshrl.u32 v12, $0xD;
	v61 =	vshll.u32 v13, $0x1;
	v62 =	vshrl.u32 v13, $0xD  }
0x22: {  	v7 =	vand.u32 $0x3FFE, v7;
	v4 =	vand.u32 $0x1, v4;
	v5 =	vand.u32 $0x1, v5  }
0x23: {  	v6 =	vand.u32 $0x1, v6;
	v51 =	vand.u32 $0x1, v9;
	v9 =	vand.u32 $0x3FFE, v52  }
0x24: {  	v10 =	vand.u32 $0x3FFE, v55;
	v7 =	vor.u32 v8, v7;
	v8 =	vand.u32 $0x3FFE, v45  }
0x25: {  	v4 =	vor.u32 v4, v7;
	v7 =	vor.u32 v46, v8;
	v8 =	vand.u32 $0x3FFE, v47  }
0x26: {  	v60 =	vand.u32 $0x1, v59;
	v8 =	vor.u32 v11, v8;
	v5 =	vor.u32 v5, v7  }
0x27: {  	v7 =	vand.u32 $0x3FFE, v49;
	v11 =	vshrl.u32 v48, $0xD;
	[tilespmem:$0x6400] =	vst v4;
	v4 =	vor.u32 v14, v10  }
0x28: {  	v6 =	vor.u32 v6, v8;
	v7 =	vor.u32 v50, v7;
	v8 =	vor.u32 v53, v9;
	[tilespmem:$0x6410] =	vst v5  }
0x29: {  	v9 =	vand.u32 $0x1, v54;
	v56 =	vand.u32 $0x1, v11;
	v7 =	vor.u32 v51, v7;
	[tilespmem:$0x6420] =	vst v6  }
0x2a: {  	v5 =	vor.u32 v9, v8;
	v4 =	vor.u32 v56, v4;
	v8 =	vand.u32 $0x3FFE, v57;
	[tilespmem:$0x6430] =	vst v7  }
0x2b: {  	v6 =	vor.u32 v58, v8;
	[tilespmem:$0x6440] =	vst v5;
	v5 =	vand.u32 $0xFFFFC000, v13;
	v8 =	vand.u32 $0x3FFE, v61  }
0x2c: {  	v63 =	vand.u32 $0x1, v62;
	[tilespmem:$0x6450] =	vst v4;
	v4 =	vor.u32 v60, v6;
	v5 =	vor.u32 v5, v8  }
0x2d: {  	[tilespmem:$0x6460] =	vst v4;
	v4 =	vor.u32 v63, v5  }
0x2e: {  	p0 =	por $0x0, $0x0;
	s18 =	simm.s32 $0x0;
	[tilespmem:$0x6470] =	vst v4  }
0x2f: {  	[tilespmem:s13], [sflag:$0x1] =	stream.indirect.gather [hbm4b:s3+s10], $0x40, s12, s10, $0xb8;
	[tilespmem:$0x11B00] =	vst v63  }
.LBB2_3:
0x30: {  	p1 =	seq.s32 s18, $0xC7  }
.Ltmp0:
0x31: {  	_ = 	snop;
	(pc) =	sbr.rel @p1 .LBB2_5-.Ltmp0, $2  }
0x32: {  	_ =	sdelay $0x2  }
0x33: {  	s17 =	sadd.s32 $0x1, s18  }
0x34: {  	s19 =	sshll.u32 s17, $0x7  }
0x35: {  	s20 =	sand.u32 $0x3FFFFF80, s19  }
0x36: {  	v4 =	vld [tilespmem:s20+$0x0];
	_ =	sdelay $0x4  }
0x37: {  	v5 =	vshll.u32 v4, $0x1  }
0x38: {  	v6 =	vand.u32 $0xFFFFC000, v4;
	v4 =	vshrl.u32 v4, $0xD;
	v5 =	vand.u32 $0x3FFE, v5  }
0x39: {  	s30 =	sand.u32 $0x1, s17;
	v4 =	vand.u32 $0x1, v4;
	v5 =	vor.u32 v6, v5  }
0x3a: {  	s21 =	sshll.u32 s30, $0x7;
	v4 =	vor.u32 v4, v5  }
0x3b: {  	[tilespmem:s21+$0x6400] =	vst v4  }
0x3c: {  	v4 =	vld [tilespmem:s20+$0x10];
	_ =	sdelay $0x4  }
0x3d: {  	v5 =	vshll.u32 v4, $0x1  }
0x3e: {  	v57 =	vand.u32 $0xFFFFC000, v4;
	v4 =	vshrl.u32 v4, $0xD;
	v5 =	vand.u32 $0x3FFE, v5  }
0x3f: {  	v4 =	vand.u32 $0x1, v4;
	v5 =	vor.u32 v57, v5  }
0x40: {  	v4 =	vor.u32 v4, v5  }
0x41: {  	[tilespmem:s21+$0x6410] =	vst v4  }
0x42: {  	v4 =	vld [tilespmem:s20+$0x20];
	_ =	sdelay $0x4  }
0x43: {  	v5 =	vshll.u32 v4, $0x1  }
0x44: {  	v58 =	vand.u32 $0xFFFFC000, v4;
	v4 =	vshrl.u32 v4, $0xD;
	v5 =	vand.u32 $0x3FFE, v5  }
0x45: {  	v4 =	vand.u32 $0x1, v4;
	v5 =	vor.u32 v58, v5  }
0x46: {  	v4 =	vor.u32 v4, v5  }
0x47: {  	[tilespmem:s21+$0x6420] =	vst v4  }
0x48: {  	v4 =	vld [tilespmem:s20+$0x30];
	_ =	sdelay $0x4  }
0x49: {  	v5 =	vshll.u32 v4, $0x1  }
0x4a: {  	v59 =	vand.u32 $0xFFFFC000, v4;
	v4 =	vshrl.u32 v4, $0xD;
	v5 =	vand.u32 $0x3FFE, v5  }
0x4b: {  	v4 =	vand.u32 $0x1, v4;
	v5 =	vor.u32 v59, v5  }
0x4c: {  	v4 =	vor.u32 v4, v5  }
0x4d: {  	[tilespmem:s21+$0x6430] =	vst v4  }
0x4e: {  	v4 =	vld [tilespmem:s20+$0x40];
	_ =	sdelay $0x4  }
0x4f: {  	v5 =	vshll.u32 v4, $0x1  }
0x50: {  	v60 =	vand.u32 $0xFFFFC000, v4;
	v4 =	vshrl.u32 v4, $0xD;
	v5 =	vand.u32 $0x3FFE, v5  }
0x51: {  	v4 =	vand.u32 $0x1, v4;
	v5 =	vor.u32 v60, v5  }
0x52: {  	v4 =	vor.u32 v4, v5  }
0x53: {  	[tilespmem:s21+$0x6440] =	vst v4  }
0x54: {  	v4 =	vld [tilespmem:s20+$0x50];
	_ =	sdelay $0x4  }
0x55: {  	v5 =	vshll.u32 v4, $0x1  }
0x56: {  	v61 =	vand.u32 $0xFFFFC000, v4;
	v4 =	vshrl.u32 v4, $0xD;
	v5 =	vand.u32 $0x3FFE, v5  }
0x57: {  	v4 =	vand.u32 $0x1, v4;
	v5 =	vor.u32 v61, v5  }
0x58: {  	v4 =	vor.u32 v4, v5  }
0x59: {  	[tilespmem:s21+$0x6450] =	vst v4  }
0x5a: {  	v4 =	vld [tilespmem:s20+$0x60];
	_ =	sdelay $0x4  }
0x5b: {  	v5 =	vshll.u32 v4, $0x1  }
0x5c: {  	v62 =	vand.u32 $0xFFFFC000, v4;
	v4 =	vshrl.u32 v4, $0xD;
	v5 =	vand.u32 $0x3FFE, v5  }
0x5d: {  	v4 =	vand.u32 $0x1, v4;
	v5 =	vor.u32 v62, v5  }
0x5e: {  	v4 =	vor.u32 v4, v5  }
0x5f: {  	[tilespmem:s21+$0x6460] =	vst v4  }
0x60: {  	v4 =	vld [tilespmem:s20+$0x70];
	_ =	sdelay $0x4  }
0x61: {  	v5 =	vshll.u32 v4, $0x1  }
0x62: {  	v63 =	vand.u32 $0xFFFFC000, v4;
	v4 =	vshrl.u32 v4, $0xD;
	v5 =	vand.u32 $0x3FFE, v5  }
0x63: {  	v4 =	vand.u32 $0x1, v4;
	v5 =	vor.u32 v63, v5  }
0x64: {  	s19 =	sshll.u32 s30, $0xD;
	v4 =	vor.u32 v4, v5  }
0x65: {  	s31 =	sor.u32 $0x6400, s21;
	s19 =	sadd.s32 $0x6500, s19;
	[tilespmem:s21+$0x6470] =	vst v4  }
0x66: {  	[tilespmem:s19], [sflag:$0x1] =	stream.indirect.gather [hbm4b:s3+s10], $0x40, s31, s10, $0xb8;
	[tilespmem:$0x11B00] =	vst v63  }
.LBB2_5:
0x67: {  	_ =	swait.ge [sflag:s14], $0x2000  }
0x68: {  	p1 =	slt.u32 s18, $0x2;
	[sflag:s14] =	ssyncset.done $0x0  }
0x69: {  	s19 =	simm.s32 @!p1 $0x2;
	[sflag:s14] =	ssyncadd.s32 $0xFFFFE000  }
0x6a: {  	_ =	swait.ge @!p1 [sflag:s19], $0x2000  }
0x6b: {  	s20 =	sshll.u32 s18, $0x6;
	[sflag:s19] =	ssyncset.done @!p1 $0x0  }
0x6c: {  	s20 =	sand.u32 $0x3FFFFFC0, s20;
	[sflag:s19] =	ssyncadd.s32 @!p1 $0xFFFFE000  }
0x6d: {  	s21 =	simm.s32 $0x1;
	v5 =	vld [tilespmem:s20+$0xE900]  }
0x6e: {  	s21 =	simm.s32 @!p0 $0x0;
	v4 =	vld [tilespmem:s20+$0xE910]  }
0x6f: {  	s24 =	sshll.u32 s21, $0xD;
	v6 =	vld [tilespmem:s20+$0xE920]  }
0x70: {  	s25 =	simm.s32 $0x3;
	s19 =	sadd.s32 $0x6580, s24;
	v7 =	vld [tilespmem:s20+$0xE930]  }
0x71: {  	v8 =	vmov s25;
	v9 =	vld [tilespmem:s19+$0x40]  }
0x72: {  	v8 =	vand.u32 $0x7F, v8;
	v10 =	vld [tilespmem:s19+$0x50]  }
0x73: {  	s26 =	sand.u32 $0x1, s18;
	v12 =	vadd.s32 v0, v8;
	v11 =	vld [tilespmem:s19+$0x60]  }
0x74: {  	s22 =	simm.s32 $0x0;
	v14 =	vadd.s32 v1, v8;
	s20 =	smul.u32 $0x8800, s26;
	v13 =	vld [tilespmem:s19+$0x70]  }
0x75: {  	v15 =	vmov s22;
	v17 =	vadd.s32 v2, v8;
	v16 =	vld [tilespmem:s19+$0xFFFFFF80]  }
0x76: {  	v15 =	vand.u32 $0x7C, v15;
	v8 =	vadd.s32 v3, v8;
	v18 =	vld [tilespmem:s19+$0xFFFFFF90];
	s20 =	sshrl.u32 s20, $0x2;
	v9 =	vadd.f32 v9, v5  }
0x77: {  	v20 =	vadd.s32 v0, v15;
	v19 =	vld [tilespmem:s19+$0xFFFFFFA0];
	s20 =	sadd.s32 $0xA500, s20;
	v10 =	vadd.f32 v10, v4  }
0x78: {  	s28 =	simm.s32 $0x1;
	v22 =	vadd.s32 v1, v15;
	v21 =	vld [tilespmem:s19+$0xFFFFFFB0];
	v11 =	vadd.f32 v11, v6;
	[tilespmem:v12+s20+$0x0] =	vst.idx.msk $0xffff, v9  }
0x79: {  	v23 =	vld [tilespmem:s19+$0xFFFFFFC0];
	v13 =	vadd.f32 v13, v7;
	v9 =	vadd.s32 v2, v15;
	v12 =	vmov s28;
	[tilespmem:v14+s20+$0x0] =	vst.idx.msk $0xffff, v10  }
0x7a: {  	v10 =	vadd.f32 v16, v5;
	v14 =	vadd.s32 v3, v15;
	v15 =	vld [tilespmem:s19+$0xFFFFFFD0];
	v12 =	vand.u32 $0x7D, v12;
	[tilespmem:v17+s20+$0x0] =	vst.idx.msk $0xffff, v11  }
0x7b: {  	v16 =	vld [tilespmem:s19+$0xFFFFFFE0];
	v11 =	vadd.f32 v18, v4;
	v17 =	vadd.s32 v0, v12;
	[tilespmem:v8+s20+$0x0] =	vst.idx.msk $0xffff, v13  }
0x7c: {  	s29 =	simm.s32 $0x2;
	v18 =	vadd.s32 v1, v12;
	v8 =	vadd.f32 v19, v6;
	[tilespmem:v20+s20+$0x0] =	vst.idx.msk $0xffff, v10;
	v10 =	vld [tilespmem:s19+$0xFFFFFFF0]  }
0x7d: {  	v13 =	vadd.f32 v21, v7;
	v19 =	vadd.s32 v2, v12;
	v20 =	vld [tilespmem:s19+$0x0];
	[tilespmem:v22+s20+$0x0] =	vst.idx.msk $0xffff, v11;
	v11 =	vmov s29  }
0x7e: {  	v21 =	vadd.f32 v23, v5;
	v23 =	vld [tilespmem:s19+$0x10];
	v22 =	vadd.s32 v3, v12;
	[tilespmem:v9+s20+$0x0] =	vst.idx.msk $0xffff, v8;
	v24 =	vand.u32 $0x7E, v11  }
0x7f: {  	v8 =	vld [tilespmem:s19+$0x20];
	[tilespmem:v14+s20+$0x0] =	vst.idx.msk $0xffff, v13;
	v14 =	vadd.f32 v15, v4;
	v9 =	vadd.s32 v0, v24  }
0x80: {  	s23 =	simm.s32 $0x7;
	s30 =	smul.u32 $0x8800, s21;
	s21 =	sadd.s32 $0x100, s19;
	v11 =	vld [tilespmem:s19+$0x30];
	v15 =	vadd.f32 v16, v6;
	v12 =	vadd.s32 v1, v24;
	[tilespmem:v17+s20+$0x0] =	vst.idx.msk $0xffff, v21  }
0x81: {  	v13 =	vld [tilespmem:s21+$0x40];
	v16 =	vadd.s32 v2, v24;
	v17 =	vmov s23;
	v21 =	vadd.f32 v10, v7;
	[tilespmem:v18+s20+$0x0] =	vst.idx.msk $0xffff, v14  }
0x82: {  	s31 =	sshrl.u32 s30, $0x2;
	v10 =	vld [tilespmem:s21+$0x50];
	v18 =	vand.u32 $0x7F, v17;
	v17 =	vadd.s32 v3, v24;
	[tilespmem:v19+s20+$0x0] =	vst.idx.msk $0xffff, v15;
	v19 =	vadd.f32 v20, v5  }
0x83: {  	s22 =	simm.s32 $0x4;
	s19 =	sadd.s32 $0xA500, s31;
	s23 =	simm.s32 $0x8;
	v14 =	vld [tilespmem:s21+$0x60];
	v15 =	vadd.s32 v0, v18;
	v20 =	vadd.f32 v23, v4;
	[tilespmem:v22+s20+$0x0] =	vst.idx.msk $0xffff, v21  }
.LBB2_6:
0x84: {  	p1 =	slt.u32 s23, $0x7C;
	v21 =	vld [tilespmem:s21+$0x70];
	v22 =	vadd.s32 v1, v18;
	v8 =	vadd.f32 v8, v6;
	[tilespmem:v9+s20+$0x0] =	vst.idx.msk $0xffff, v19  }
0x85: {  	v9 =	vmov s22;
	v23 =	vadd.s32 v2, v18;
	v19 =	vld [tilespmem:s21+$0xFFFFFF80];
	v11 =	vadd.f32 v11, v7;
	[tilespmem:v12+s20+$0x0] =	vst.idx.msk $0xffff, v20  }
0x86: {  	v18 =	vadd.s32 v3, v18;
	v9 =	vand.u32 $0x7C, v9;
	v12 =	vld [tilespmem:s21+$0xFFFFFF90];
	v13 =	vadd.f32 v13, v5;
	[tilespmem:v16+s20+$0x0] =	vst.idx.msk $0xffff, v8  }
0x87: {  	v16 =	vadd.s32 v0, v9;
	v8 =	vld [tilespmem:s21+$0xFFFFFFA0];
	v10 =	vadd.f32 v10, v4;
	[tilespmem:v17+s20+$0x0] =	vst.idx.msk $0xffff, v11  }
0x88: {  	s24 =	sadd.s32 $0x1, s22;
	v17 =	vadd.s32 v1, v9;
	v11 =	vld [tilespmem:s21+$0xFFFFFFB0];
	v14 =	vadd.f32 v14, v6;
	[tilespmem:v15+s20+$0x0] =	vst.idx.msk $0xffff, v13  }
0x89: {  	v13 =	vadd.s32 v2, v9;
	v15 =	vmov s24;
	v20 =	vld [tilespmem:s21+$0xFFFFFFC0];
	v21 =	vadd.f32 v21, v7;
	[tilespmem:v22+s20+$0x0] =	vst.idx.msk $0xffff, v10  }
0x8a: {  	v9 =	vadd.s32 v3, v9;
	v15 =	vand.u32 $0x7D, v15;
	v10 =	vadd.f32 v19, v5;
	v19 =	vld [tilespmem:s21+$0xFFFFFFD0];
	[tilespmem:v23+s20+$0x0] =	vst.idx.msk $0xffff, v14  }
0x8b: {  	v22 =	vadd.s32 v0, v15;
	v12 =	vadd.f32 v12, v4;
	v14 =	vld [tilespmem:s21+$0xFFFFFFE0];
	[tilespmem:v18+s20+$0x0] =	vst.idx.msk $0xffff, v21  }
0x8c: {  	s24 =	sadd.s32 $0x2, s22;
	s22 =	smov.u32 s23;
	v8 =	vadd.f32 v8, v6;
	[tilespmem:v16+s20+$0x0] =	vst.idx.msk $0xffff, v10;
	v10 =	vld [tilespmem:s21+$0xFFFFFFF0];
	v16 =	vadd.s32 v1, v15  }
0x8d: {  	v11 =	vadd.f32 v11, v7;
	[tilespmem:v17+s20+$0x0] =	vst.idx.msk $0xffff, v12;
	v17 =	vadd.s32 v2, v15;
	v12 =	vmov s24;
	v21 =	vld [tilespmem:s21+$0x0]  }
0x8e: {  	[tilespmem:v13+s20+$0x0] =	vst.idx.msk $0xffff, v8;
	v13 =	vadd.f32 v20, v5;
	v20 =	vadd.s32 v3, v15;
	v23 =	vld [tilespmem:s21+$0x10];
	v15 =	vand.u32 $0x7E, v12  }
.Ltmp1:
0x8f: {  	[tilespmem:v9+s20+$0x0] =	vst.idx.msk $0xffff, v11;
	v18 =	vadd.f32 v19, v4;
	v8 =	vld [tilespmem:s21+$0x20];
	v9 =	vadd.s32 v0, v15;
	(pc) =	sbr.rel @p1 .LBB2_6-.Ltmp1, $4  }
0x90: {  	s24 =	sadd.s32 $0x3, s23;
	v12 =	vadd.s32 v1, v15;
	v14 =	vadd.f32 v14, v6;
	[tilespmem:v22+s20+$0x0] =	vst.idx.msk $0xffff, v13;
	v11 =	vld [tilespmem:s21+$0x30];
	s21 =	sadd.s32 $0x100, s21  }
0x91: {  	v19 =	vmov s24;
	v13 =	vld [tilespmem:s21+$0x40];
	v22 =	vadd.f32 v10, v7;
	[tilespmem:v16+s20+$0x0] =	vst.idx.msk $0xffff, v18;
	v16 =	vadd.s32 v2, v15  }
0x92: {  	v18 =	vand.u32 $0x7F, v19;
	v10 =	vld [tilespmem:s21+$0x50];
	[tilespmem:v17+s20+$0x0] =	vst.idx.msk $0xffff, v14;
	v19 =	vadd.f32 v21, v5;
	v17 =	vadd.s32 v3, v15  }
0x93: {  	s23 =	sadd.s32 $0x4, s23;
	v15 =	vadd.s32 v0, v18;
	v14 =	vld [tilespmem:s21+$0x60];
	[tilespmem:v20+s20+$0x0] =	vst.idx.msk $0xffff, v22;
	v20 =	vadd.f32 v23, v4  }
0x94: {  	_ =	sdelay $0x2  }
0x95: {  	v21 =	vld [tilespmem:s21+$0x70];
	v22 =	vadd.s32 v1, v18  }
0x96: {  	v8 =	vadd.f32 v8, v6;
	[tilespmem:v9+s20+$0x0] =	vst.idx.msk $0xffff, v19;
	v33 =	vmov s22;
	v34 =	vld [tilespmem:s21+$0xFFFFFF80];
	v23 =	vadd.s32 v2, v18  }
0x97: {  	v35 =	vld [tilespmem:s21+$0xFFFFFF90];
	v36 =	vadd.s32 v3, v18;
	v11 =	vadd.f32 v11, v7;
	[tilespmem:v12+s20+$0x0] =	vst.idx.msk $0xffff, v20;
	v9 =	vand.u32 $0x7C, v33  }
0x98: {  	v37 =	vld [tilespmem:s21+$0xFFFFFFA0];
	v13 =	vadd.f32 v13, v5;
	[tilespmem:v16+s20+$0x0] =	vst.idx.msk $0xffff, v8;
	v38 =	vadd.s32 v0, v9  }
0x99: {  	v43 =	vld [tilespmem:s21+$0xFFFFFFC0];
	s26 =	sadd.s32 $0x2, s22;
	v40 =	vadd.s32 v1, v9;
	v10 =	vadd.f32 v10, v4;
	[tilespmem:v17+s20+$0x0] =	vst.idx.msk $0xffff, v11  }
0x9a: {  	v52 =	vld [tilespmem:s21+$0x0];
	v51 =	vmov s26;
	v41 =	vadd.s32 v2, v9;
	v14 =	vadd.f32 v14, v6;
	[tilespmem:v15+s20+$0x0] =	vst.idx.msk $0xffff, v13  }
0x9b: {  	v39 =	vld [tilespmem:s21+$0xFFFFFFB0];
	s23 =	sadd.s32 $0x1, s22;
	v9 =	vadd.s32 v3, v9;
	v17 =	vand.u32 $0x7E, v51;
	v21 =	vadd.f32 v21, v7;
	[tilespmem:v22+s20+$0x0] =	vst.idx.msk $0xffff, v10  }
0x9c: {  	v45 =	vld [tilespmem:s21+$0xFFFFFFD0];
	v42 =	vmov s23;
	v58 =	vadd.s32 v0, v17;
	v44 =	vadd.f32 v34, v5;
	[tilespmem:v23+s20+$0x0] =	vst.idx.msk $0xffff, v14  }
0x9d: {  	v55 =	vld [tilespmem:s21+$0x10];
	v15 =	vand.u32 $0x7D, v42;
	v60 =	vadd.s32 v1, v17;
	v12 =	vadd.f32 v35, v4;
	[tilespmem:v36+s20+$0x0] =	vst.idx.msk $0xffff, v21  }
0x9e: {  	v47 =	vadd.s32 v0, v15;
	v8 =	vadd.f32 v37, v6;
	[tilespmem:v38+s20+$0x0] =	vst.idx.msk $0xffff, v44  }
0x9f: {  	v57 =	vld [tilespmem:s21+$0x20];
	v53 =	vadd.f32 v43, v5;
	v5 =	vadd.f32 v52, v5;
	[tilespmem:v40+s20+$0x0] =	vst.idx.msk $0xffff, v12  }
0xa0: {  	v46 =	vld [tilespmem:s21+$0xFFFFFFE0];
	v49 =	vadd.s32 v1, v15;
	v11 =	vadd.f32 v39, v7;
	[tilespmem:v41+s20+$0x0] =	vst.idx.msk $0xffff, v8  }
0xa1: {  	v59 =	vld [tilespmem:s21+$0x30];
	v61 =	vadd.s32 v2, v17;
	v50 =	vadd.s32 v2, v15;
	[tilespmem:v58+s20+$0x0] =	vst.idx.msk $0xffff, v5  }
0xa2: {  	v48 =	vld [tilespmem:s21+$0xFFFFFFF0];
	v56 =	vadd.f32 v45, v4;
	v4 =	vadd.f32 v55, v4;
	[tilespmem:v9+s20+$0x0] =	vst.idx.msk $0xffff, v11  }
0xa3: {  	v62 =	vadd.s32 v3, v17;
	[tilespmem:v47+s20+$0x0] =	vst.idx.msk $0xffff, v53  }
0xa4: {  	v54 =	vadd.s32 v3, v15;
	v63 =	vadd.f32 v57, v6;
	[tilespmem:v60+s20+$0x0] =	vst.idx.msk $0xffff, v4  }
0xa5: {  	v14 =	vadd.f32 v46, v6;
	[tilespmem:v49+s20+$0x0] =	vst.idx.msk $0xffff, v56  }
0xa6: {  	v5 =	vadd.f32 v59, v7;
	[tilespmem:v61+s20+$0x0] =	vst.idx.msk $0xffff, v63  }
0xa7: {  	v10 =	vadd.f32 v48, v7;
	[tilespmem:v50+s20+$0x0] =	vst.idx.msk $0xffff, v14  }
0xa8: {  	s18 =	sshll.u32 s18, $0xF;
	[tilespmem:v62+s20+$0x0] =	vst.idx.msk $0xffff, v5  }
0xa9: {  	s22 =	sadd.s32 $0x0, s19;
	s18 =	sadd.s32 s18, s6;
	[tilespmem:v54+s20+$0x0] =	vst.idx.msk $0xffff, v10  }
0xaa: {  	[hbm4b:s18+s2] =	stream.linear.scatter [tilespmem:s22], [sflag:$0x2], $0x80, $0x38;
	[tilespmem:$0x11B00] =	vst v63  }
0xab: {  	s28 =	sadd.s32 $0x88, s22;
	s29 =	sadd.s32 $0x10, s18  }
0xac: {  	[hbm4b:s29+s2] =	stream.linear.scatter [tilespmem:s28], [sflag:$0x2], $0x80, $0x38;
	[tilespmem:$0x11B00] =	vst v63  }
0xad: {  	s21 =	simm.s32 $0x2200;
	s30 =	sadd.s32 $0x110, s22;
	s31 =	sadd.s32 $0x20, s18  }
0xae: {  	[hbm4b:s31+s2] =	stream.linear.scatter [tilespmem:s30], [sflag:$0x2], $0x80, $0x38;
	[tilespmem:$0x11B00] =	vst v63  }
0xaf: {  	s23 =	sadd.s32 $0x198, s22;
	s25 =	sadd.s32 $0x220, s22;
	s24 =	sadd.s32 $0x30, s18  }
0xb0: {  	[hbm4b:s24+s2] =	stream.linear.scatter [tilespmem:s23], [sflag:$0x2], $0x80, $0x38;
	[tilespmem:$0x11B00] =	vst v63  }
0xb1: {  	s26 =	sadd.s32 $0x40, s18;
	s20 =	simm.s32 $0x440;
	s28 =	sadd.s32 $0x2A8, s22  }
0xb2: {  	[hbm4b:s26+s2] =	stream.linear.scatter [tilespmem:s25], [sflag:$0x2], $0x80, $0x38;
	[tilespmem:$0x11B00] =	vst v63  }
0xb3: {  	s29 =	sadd.s32 $0x50, s18;
	s30 =	sadd.s32 $0x330, s22;
	s31 =	sadd.s32 $0x60, s18  }
0xb4: {  	[hbm4b:s29+s2] =	stream.linear.scatter [tilespmem:s28], [sflag:$0x2], $0x80, $0x38;
	[tilespmem:$0x11B00] =	vst v63  }
0xb5: {  	s22 =	sadd.s32 $0x3B8, s22;
	s23 =	sadd.s32 $0x70, s18;
	s18 =	sadd.s32 $0x1000, s18  }
0xb6: {  	[hbm4b:s31+s2] =	stream.linear.scatter [tilespmem:s30], [sflag:$0x2], $0x80, $0x38;
	[tilespmem:$0x11B00] =	vst v63  }
.LBB2_8:
0xb7: {  	[hbm4b:s23+s2] =	stream.linear.scatter [tilespmem:s22], [sflag:$0x2], $0x80, $0x38;
	[tilespmem:$0x11B00] =	vst v63  }
0xb8: {  	s22 =	smov.u32 s21  }
0xb9: {  	s24 =	sadd.s32 $0x1100, s21;
	s23 =	sadd.s32 s20, s19;
	s20 =	sshra.s32 s22, $0x2  }
0xba: {  	[hbm4b:s18+s2] =	stream.linear.scatter [tilespmem:s23], [sflag:$0x2], $0x80, $0x38;
	[tilespmem:$0x11B00] =	vst v63  }
0xbb: {  	p1 =	seq.s32 s21, $0x7700;
	s21 =	sadd.s32 $0x88, s23;
	s22 =	sadd.s32 $0x10, s18  }
0xbc: {  	[hbm4b:s22+s2] =	stream.linear.scatter [tilespmem:s21], [sflag:$0x2], $0x80, $0x38;
	[tilespmem:$0x11B00] =	vst v63  }
0xbd: {  	s21 =	sadd.s32 $0x110, s23;
	s22 =	sadd.s32 $0x20, s18  }
0xbe: {  	[hbm4b:s22+s2] =	stream.linear.scatter [tilespmem:s21], [sflag:$0x2], $0x80, $0x38;
	[tilespmem:$0x11B00] =	vst v63  }
0xbf: {  	s21 =	sadd.s32 $0x198, s23;
	s22 =	sadd.s32 $0x30, s18  }
0xc0: {  	[hbm4b:s22+s2] =	stream.linear.scatter [tilespmem:s21], [sflag:$0x2], $0x80, $0x38;
	[tilespmem:$0x11B00] =	vst v63  }
0xc1: {  	s21 =	sadd.s32 $0x220, s23;
	s22 =	sadd.s32 $0x40, s18  }
0xc2: {  	[hbm4b:s22+s2] =	stream.linear.scatter [tilespmem:s21], [sflag:$0x2], $0x80, $0x38;
	[tilespmem:$0x11B00] =	vst v63  }
0xc3: {  	s21 =	sadd.s32 $0x2A8, s23;
	s22 =	sadd.s32 $0x50, s18  }
0xc4: {  	[hbm4b:s22+s2] =	stream.linear.scatter [tilespmem:s21], [sflag:$0x2], $0x80, $0x38;
	[tilespmem:$0x11B00] =	vst v63  }
.Ltmp2:
0xc5: {  	_ = 	snop;
	(pc) =	sbr.rel @!p1 .LBB2_8-.Ltmp2, $4  }
0xc6: {  	s21 =	sadd.s32 $0x330, s23;
	s22 =	sadd.s32 $0x60, s18  }
0xc7: {  	[hbm4b:s22+s2] =	stream.linear.scatter [tilespmem:s21], [sflag:$0x2], $0x80, $0x38;
	[tilespmem:$0x11B00] =	vst v63  }
0xc8: {  	s22 =	sadd.s32 $0x3B8, s23  }
0xc9: {  	s23 =	sadd.s32 $0x70, s18;
	s18 =	sadd.s32 $0x1000, s18;
	s21 =	smov.u32 s24  }
0xca: {  	[hbm4b:s23+s2] =	stream.linear.scatter [tilespmem:s22], [sflag:$0x2], $0x80, $0x38;
	[tilespmem:$0x11B00] =	vst v63  }
0xcb: {  	s19 =	sadd.s32 s20, s19  }
0xcc: {  	[hbm4b:s18+s2] =	stream.linear.scatter [tilespmem:s19], [sflag:$0x2], $0x80, $0x38;
	[tilespmem:$0x11B00] =	vst v63  }
0xcd: {  	s21 =	sadd.s32 $0x10, s18;
	s20 =	sadd.s32 $0x88, s19  }
0xce: {  	[hbm4b:s21+s2] =	stream.linear.scatter [tilespmem:s20], [sflag:$0x2], $0x80, $0x38;
	[tilespmem:$0x11B00] =	vst v63  }
0xcf: {  	s31 =	sadd.s32 $0x20, s18;
	s30 =	sadd.s32 $0x110, s19  }
0xd0: {  	[hbm4b:s31+s2] =	stream.linear.scatter [tilespmem:s30], [sflag:$0x2], $0x80, $0x38;
	[tilespmem:$0x11B00] =	vst v63  }
0xd1: {  	s23 =	sadd.s32 $0x30, s18;
	s22 =	sadd.s32 $0x198, s19  }
0xd2: {  	[hbm4b:s23+s2] =	stream.linear.scatter [tilespmem:s22], [sflag:$0x2], $0x80, $0x38;
	[tilespmem:$0x11B00] =	vst v63  }
0xd3: {  	s25 =	sadd.s32 $0x40, s18;
	s24 =	sadd.s32 $0x220, s19  }
0xd4: {  	[hbm4b:s25+s2] =	stream.linear.scatter [tilespmem:s24], [sflag:$0x2], $0x80, $0x38;
	[tilespmem:$0x11B00] =	vst v63  }
0xd5: {  	s28 =	sadd.s32 $0x50, s18;
	s26 =	sadd.s32 $0x2A8, s19  }
0xd6: {  	[hbm4b:s28+s2] =	stream.linear.scatter [tilespmem:s26], [sflag:$0x2], $0x80, $0x38;
	[tilespmem:$0x11B00] =	vst v63  }
0xd7: {  	s29 =	sadd.s32 $0x330, s19;
	s30 =	sadd.s32 $0x60, s18  }
0xd8: {  	[hbm4b:s30+s2] =	stream.linear.scatter [tilespmem:s29], [sflag:$0x2], $0x80, $0x38;
	[tilespmem:$0x11B00] =	vst v63  }
0xd9: {  	s19 =	sadd.s32 $0x3B8, s19;
	s31 =	sadd.s32 $0x70, s18  }
0xda: {  	[hbm4b:s31+s2] =	stream.linear.scatter [tilespmem:s19], [sflag:$0x2], $0x80, $0x38;
	[tilespmem:$0x11B00] =	vst v63  }
0xdb: {  	p1 =	seq.s32 s17, $0xC8  }
.Ltmp3:
0xdc: {  	_ = 	snop;
	(pc) =	sbr.rel @!p1 .LBB2_3-.Ltmp3, $2  }
0xdd: {  	_ =	sdelay $0x2  }
0xde: {  	p0 =	por !p0, !p0;
	s18 =	smov.u32 s17  }
0xdf: {  	s16 =	sadd.s32 $0x1, s16  }
0xe0: {  	_ =	swait.ge [sflag:s15], $0x2000;
	p0 =	sne.s32 s16, s7  }
.Ltmp4:
0xe1: {  	[sflag:s15] =	ssyncset.done $0x0;
	(pc) =	sbr.rel @p0 .LBB2_1-.Ltmp4, $4  }
0xe2: {  	[sflag:s15] =	ssyncadd.s32 $0xFFFFE000  }
0xe3: {  	_ =	swait.ge [sflag:s15], $0x2000  }
0xe4: {  	[sflag:s15] =	ssyncset.done $0x0  }
0xe5: {  	[sflag:s15] =	ssyncadd.s32 $0xFFFFE000  }
0xe6: {  	_ =	sfence.sel $0x180000  }
0xe7: {  	[bflag:$0x0] =	sbarrier.arrive $0xFFFF  }
0xe8: {  	p0 =	sne.s32 s1, $0x0;
	_ =	strace $0x90000047  }
0xe9: {  	s0 =	sadd.s32 @!p0 $0x100000, s0;
	[bflag:$0x2] =	sbarrier.arrive $0xFFFF  }
0xea: {  	[sflag:s0] =	ssyncadd.tile.s32 @!p0 $0x1;
	_ =	shalt  }
.Lfunc_end2:
_tile_overlayer_lowered:
.L_overlay_start_2:
0xeb: {  	(tag) =	ssettag $0x2  }
0xec: {  	s0 =	rddreg [dreg:$0x0];
	s2 =	stileid.u32  }
0xed: {  	s1 =	rddreg [dreg:$0x1];
	p0 =	sne.s32 s2, $0x0  }
0xee: {  	s3 =	rddreg [dreg:$0x2];
	[bflag:$0x3] =	sbarrier.arrive $0xFFFF;
	s2 =	simm.s32 @!p0 $0x1C03  }
0xef: {  	[timem:s3], [sflag:s2] =	dma.local @!p0 [hbm:s0], s1  }
0xf0: {  	s0 =	simm.s32 @!p0 $0x3  }
0xf1: {  	_ =	swait.ge @!p0 [sflag:s0], s1  }
0xf2: {  	s1 =	ssub.s32 @!p0 $0x0, s1;
	[sflag:s0] =	ssyncset.done @!p0 $0x0  }
0xf3: {  	[sflag:s0] =	ssyncadd.s32 @!p0 s1  }
0xf4: {  	[bflag:$0x3] =	sbarrier.arrive $0xFFFF  }
0xf5: {  	_ =	shalt  }

</sc_bundles>
